<compile_context>
chip_gen: v7x
topology: tpu7x:2x2x1
jax: 0.10.2.dev20260603
libtpu: 0.0.44.dev20260713+nightly
codegen_flags: <defaults>
</compile_context>

<pallas_src>
import functools

import jax
import jax.numpy as jnp
import numpy as np
from jax import lax
from jax.experimental import pallas as pl
from jax.experimental.pallas import tpu as pltpu
from jax.experimental.pallas import tpu_sc as plsc

N = 10000
E = 320000
HID = 128
NH = 16
HD = 8
NC = 2
NS = 16
NW = NC * NS
EPT = E // NW
CHUNK = 80
NCHUNK = EPT // CHUNK
NP = 10240
ROWS_PT = NP // NS
ZCH = 128
BE = 512
BN = 1000

_mesh = plsc.VectorSubcoreMesh(core_axis_name="c", subcore_axis_name="s")


def _ln(x, g, be):
    mu = jnp.mean(x, axis=-1, keepdims=True)
    var = jnp.mean((x - mu) * (x - mu), axis=-1, keepdims=True)
    return (x - mu) / jnp.sqrt(var + 1e-5) * g + be


def _node_body(h_ref, m_ref, ws_ref, wd_ref, wq1_ref, bq1_ref, gq_ref, beq_ref,
               wq2_ref, bq2_ref, s_ref, d_ref):
    hb = h_ref[...]
    s_ref[...] = hb @ ws_ref[...]
    dkv = hb @ wd_ref[...]
    hl = hb * m_ref[...]
    hq = hl @ wq1_ref[...] + bq1_ref[...]
    hq = jax.nn.relu(_ln(hq, gq_ref[...], beq_ref[...]))
    q = hq @ wq2_ref[...] + bq2_ref[...]
    d_ref[...] = jnp.concatenate([dkv, q], axis=-1)


def _node_precompute(h, maskf, w_s, w_d, wq1, bq1, gq, beq, wq2, bq2):
    full = lambda a: pl.BlockSpec(a.shape, lambda i: (0,) * a.ndim)
    return pl.pallas_call(
        _node_body,
        grid=(N // BN,),
        in_specs=[
            pl.BlockSpec((BN, HID), lambda i: (i, 0)),
            pl.BlockSpec((BN, 1), lambda i: (i, 0)),
            full(w_s), full(w_d), full(wq1), full(bq1), full(gq), full(beq),
            full(wq2), full(bq2),
        ],
        out_specs=[
            pl.BlockSpec((BN, 256), lambda i: (i, 0)),
            pl.BlockSpec((BN, 384), lambda i: (i, 0)),
        ],
        out_shape=[
            jax.ShapeDtypeStruct((N, 256), jnp.float32),
            jax.ShapeDtypeStruct((N, 384), jnp.float32),
        ],
    )(h, maskf, w_s, w_d, wq1, bq1, gq, beq, wq2, bq2)


@functools.partial(
    pl.kernel,
    out_type=(
        jax.ShapeDtypeStruct((E, 256), jnp.float32),
        jax.ShapeDtypeStruct((E, 384), jnp.float32),
    ),
    mesh=_mesh,
    scratch_types=[
        pltpu.VMEM((CHUNK,), jnp.int32),
        pltpu.VMEM((CHUNK,), jnp.int32),
        pltpu.VMEM((CHUNK, 256), jnp.float32),
        pltpu.VMEM((CHUNK, 384), jnp.float32),
        pltpu.SemaphoreType.DMA,
        pltpu.SemaphoreType.DMA,
    ],
)
def _sc_gather(s_hbm, d_hbm, src_hbm, dst_hbm, sr_hbm, dr_hbm,
               sidx, didx, sbuf, dbuf, sem1, sem2):
    wid = lax.axis_index("s") * NC + lax.axis_index("c")
    base0 = wid * EPT

    def body(i, carry):
        base = base0 + i * CHUNK
        pltpu.sync_copy(src_hbm.at[pl.ds(base, CHUNK)], sidx)
        pltpu.sync_copy(dst_hbm.at[pl.ds(base, CHUNK)], didx)
        cp1 = pltpu.async_copy(s_hbm.at[sidx], sbuf, sem1)
        cp2 = pltpu.async_copy(d_hbm.at[didx], dbuf, sem2)
        cp1.wait()
        cp2.wait()
        pltpu.sync_copy(sbuf, sr_hbm.at[pl.ds(base, CHUNK)])
        pltpu.sync_copy(dbuf, dr_hbm.at[pl.ds(base, CHUNK)])
        return carry

    lax.fori_loop(0, NCHUNK, body, 0)


def _edge_body(sr_ref, dr_ref, rf_ref, rx_ref, wk1r_ref, wv1r_ref, wk2_ref,
               wv2_ref, bk1_ref, bv1_ref, gk_ref, bek_ref, gv_ref, bev_ref,
               bk2_ref, bv2_ref, out_ref):
    sr = sr_ref[...]
    dr = dr_ref[...]
    rf = rf_ref[...]
    rx = rx_ref[...]
    hdnk = rf @ wk1r_ref[...] + sr[:, 0:128] + dr[:, 0:128] + bk1_ref[...]
    hdnk = jax.nn.relu(_ln(hdnk, gk_ref[...], bek_ref[...]))
    k = hdnk @ wk2_ref[...] + bk2_ref[...]
    hdnv = rf @ wv1r_ref[...] + sr[:, 128:256] + dr[:, 128:256] + bv1_ref[...]
    hdnv = jax.nn.relu(_ln(hdnv, gv_ref[...], bev_ref[...]))
    v16 = hdnv @ wv2_ref[...] + bv2_ref[...]
    qd = dr[:, 256:384]
    lane = lax.broadcasted_iota(jnp.int32, (HID, NH), 0)
    head = lax.broadcasted_iota(jnp.int32, (HID, NH), 1)
    sel = jnp.where(lane // HD == head, 1.0, 0.0).astype(jnp.float32)
    logits = ((qd * k) @ sel) * np.float32(1.0 / np.sqrt(HD))
    ex = jnp.exp(logits)
    w = ex * v16
    z = jnp.zeros_like(qd[:, 0:64])
    out_ref[...] = jnp.concatenate(
        [ex, w * rx[:, 0:1], w * rx[:, 1:2], w * rx[:, 2:3], z], axis=-1)


def _edge_dense(sr, dr, r_feat, relx4, wk1r, wv1r, wk2, wv2, bk1, bv1, gk,
                bek, gv, bev, bk2, bv2):
    full = lambda a: pl.BlockSpec(a.shape, lambda i: (0,) * a.ndim)
    return pl.pallas_call(
        _edge_body,
        grid=(E // BE,),
        in_specs=[
            pl.BlockSpec((BE, 256), lambda i: (i, 0)),
            pl.BlockSpec((BE, 384), lambda i: (i, 0)),
            pl.BlockSpec((BE, 16), lambda i: (i, 0)),
            pl.BlockSpec((BE, 4), lambda i: (i, 0)),
            full(wk1r), full(wv1r), full(wk2), full(wv2), full(bk1), full(bv1),
            full(gk), full(bek), full(gv), full(bev), full(bk2), full(bv2),
        ],
        out_specs=pl.BlockSpec((BE, 128), lambda i: (i, 0)),
        out_shape=jax.ShapeDtypeStruct((E, 128), jnp.float32),
    )(sr, dr, r_feat, relx4, wk1r, wv1r, wk2, wv2, bk1, bv1, gk, bek, gv, bev,
      bk2, bv2)


@functools.partial(
    pl.kernel,
    out_type=jax.ShapeDtypeStruct((NC, NP, 128), jnp.float32),
    mesh=_mesh,
    scratch_types=[
        pltpu.VMEM((CHUNK,), jnp.int32),
        pltpu.VMEM((CHUNK, 128), jnp.float32),
        pltpu.VMEM((ZCH, 128), jnp.float32),
        pltpu.VMEM_SHARED((NP, 128), jnp.float32),
    ],
)
def _sc_scatter(rows_hbm, dst_hbm, out_hbm, didx, rows, zbuf, acc):
    cid = lax.axis_index("c")
    sid = lax.axis_index("s")
    wid = sid * NC + cid
    zero16 = jnp.zeros((16,), jnp.float32)

    def zrow(i, carry):
        for j in range(8):
            zbuf[i, pl.ds(j * 16, 16)] = zero16
        return carry

    lax.fori_loop(0, ZCH, zrow, 0)

    def zcopy(j, carry):
        pltpu.sync_copy(zbuf, acc.at[pl.ds(sid * ROWS_PT + j * ZCH, ZCH)])
        return carry

    lax.fori_loop(0, ROWS_PT // ZCH, zcopy, 0)
    plsc.subcore_barrier()

    def chunk_body(i, carry):
        base = wid * EPT + i * CHUNK
        pltpu.sync_copy(rows_hbm.at[pl.ds(base, CHUNK)], rows)
        pltpu.sync_copy(dst_hbm.at[pl.ds(base, CHUNK)], didx)
        pltpu.sync_copy(rows, acc.at[didx], add=True)
        return carry

    lax.fori_loop(0, NCHUNK, chunk_body, 0)
    plsc.subcore_barrier()
    pltpu.sync_copy(acc.at[pl.ds(sid * ROWS_PT, ROWS_PT)],
                    out_hbm.at[cid, pl.ds(sid * ROWS_PT, ROWS_PT)])


def _final_body(a0_ref, a1_ref, out_ref):
    a = a0_ref[...] + a1_ref[...]
    inv = 1.0 / (a[:, 0:16] + 1e-16)
    o0 = jnp.sum(a[:, 16:32] * inv, axis=-1, keepdims=True)
    o1 = jnp.sum(a[:, 32:48] * inv, axis=-1, keepdims=True)
    o2 = jnp.sum(a[:, 48:64] * inv, axis=-1, keepdims=True)
    out_ref[...] = jnp.concatenate([o0, o1, o2, o0 * 0.0],
                                   axis=-1) * np.float32(1.0 / NH)


def _final(a0, a1):
    spec = pl.BlockSpec((BN, 128), lambda i: (i, 0))
    return pl.pallas_call(
        _final_body,
        grid=(N // BN,),
        in_specs=[spec, spec],
        out_specs=pl.BlockSpec((BN, 4), lambda i: (i, 0)),
        out_shape=jax.ShapeDtypeStruct((N, 4), jnp.float32),
    )(a0, a1)


def kernel(h, rel_x, r_feat, final_x, batch, mask_ligand, edge_index,
           xk_W1, xk_b1, xk_g, xk_be, xk_W2, xk_b2,
           xv_W1, xv_b1, xv_g, xv_be, xv_W2, xv_b2,
           xq_W1, xq_b1, xq_g, xq_be, xq_W2, xq_b2):
    src = edge_index[0]
    dst = edge_index[1]
    maskf = mask_ligand.astype(jnp.float32).reshape(N, 1)
    relx4 = jnp.concatenate(
        [rel_x, jnp.zeros((E, 1), jnp.float32)], axis=-1)
    w_s = jnp.concatenate([xk_W1[16:144], xv_W1[16:144]], axis=1)
    w_d = jnp.concatenate([xk_W1[144:272], xv_W1[144:272]], axis=1)
    row = lambda b: b.reshape(1, -1)

    s_tab, d_tab = _node_precompute(
        h, maskf, w_s, w_d, xq_W1, row(xq_b1), row(xq_g), row(xq_be), xq_W2,
        row(xq_b2))
    sr, dr = _sc_gather(s_tab, d_tab, src, dst)
    rows = _edge_dense(sr, dr, r_feat, relx4, xk_W1[0:16], xv_W1[0:16],
                       xk_W2, xv_W2, row(xk_b1), row(xv_b1), row(xk_g),
                       row(xk_be), row(xv_g), row(xv_be), row(xk_b2),
                       row(xv_b2))
    parts = _sc_scatter(rows, dst)
    out4 = _final(parts[0], parts[1])
    return out4[:, 0:3]

# --- scband reference (transcript-rebuilt; emitter-appended) ---
"""Pipeline reference for scband-base-h2-xatt-layer-cross-87548613362078 (READ-ONLY COPY).

The authoritative reference and input builder live on the scoring server;
editing this copy changes nothing except your own understanding.
"""

import jax, jax.numpy as jnp
import numpy as np

N_NODES = 10000
N_EDGES = 320000
INPUT_DIM = 128
HIDDEN_DIM = 128
OUTPUT_DIM = 128
N_HEADS = 16
R_FEAT_DIM = 16
KV_IN = INPUT_DIM * 2 + R_FEAT_DIM
HEAD_DIM = OUTPUT_DIM // N_HEADS


def _mlp(x, W1, b1, g, be, W2, b2):
    hdn = x @ W1 + b1
    mu = hdn.mean(-1, keepdims=True)
    var = hdn.var(-1, keepdims=True)
    hdn = (hdn - mu) / jnp.sqrt(var + 1e-5) * g + be
    hdn = jax.nn.relu(hdn)
    return hdn @ W2 + b2


def _mlp_params(key, in_dim, hid, out):
    k1, k2 = jax.random.split(key)
    W1 = jax.random.normal(k1, (in_dim, hid), jnp.float32) / np.sqrt(in_dim)
    b1 = jnp.zeros((hid,), jnp.float32)
    g = jnp.ones((hid,), jnp.float32)
    be = jnp.zeros((hid,), jnp.float32)
    W2 = jax.random.normal(k2, (hid, out), jnp.float32) / np.sqrt(hid)
    b2 = jnp.zeros((out,), jnp.float32)
    return (W1, b1, g, be, W2, b2)


def _forward(h, rel_x, r_feat, final_x, xk_W1, xk_b1, xk_g, xk_be, xk_W2, xk_b2, xv_W1, xv_b1, xv_g, xv_be, xv_W2, xv_b2, xq_W1, xq_b1, xq_g, xq_be, xq_W2, xq_b2, batch, mask_ligand, edge_index):
    N = h.shape[0]
    src = edge_index[0]
    dst = edge_index[1]
    hi = h[src]
    hj = h[dst]
    kv_input = jnp.concatenate([r_feat, hi, hj], axis=-1)
    k = _mlp(kv_input, xk_W1, xk_b1, xk_g, xk_be, xk_W2, xk_b2).reshape(-1, N_HEADS, HEAD_DIM)
    v = _mlp(kv_input, xv_W1, xv_b1, xv_g, xv_be, xv_W2, xv_b2)
    v = v[:, :, None] * rel_x[:, None, :]
    h_lig = jnp.where(mask_ligand[:, None], h, 0.0)
    q = _mlp(h_lig, xq_W1, xq_b1, xq_g, xq_be, xq_W2, xq_b2).reshape(N, N_HEADS, HEAD_DIM)
    logits = (q[dst] * k).sum(-1) / np.sqrt(HEAD_DIM)
    seg_max = jax.ops.segment_max(logits, dst, num_segments=N)
    seg_max = jnp.where(jnp.isfinite(seg_max), seg_max, 0.0)
    ex = jnp.exp(logits - seg_max[dst])
    seg_sum = jax.ops.segment_sum(ex, dst, num_segments=N)
    alpha = ex / (seg_sum[dst] + 1e-16)
    m = alpha[:, :, None] * v
    out = jax.ops.segment_sum(m, dst, num_segments=N)
    return out.mean(1)


def setup_inputs(seed: int = 0):
    key = jax.random.key(seed)
    ks = jax.random.split(key, 8)
    inp = {}
    inp["h"] = jax.random.normal(ks[0], (N_NODES, INPUT_DIM), jnp.float32)
    inp["rel_x"] = jax.random.normal(ks[1], (N_EDGES, 3), jnp.float32)
    inp["r_feat"] = jax.random.normal(ks[2], (N_EDGES, R_FEAT_DIM), jnp.float32)
    inp["final_x"] = jax.random.normal(ks[3], (N_NODES, 3), jnp.float32)
    inp["batch"] = jnp.zeros((N_NODES,), jnp.int32)
    inp["mask_ligand"] = jnp.ones((N_NODES,), jnp.bool_)
    inp["edge_index"] = jax.random.randint(ks[4], (2, N_EDGES), 0, N_NODES, jnp.int32)
    names = ["W1", "b1", "g", "be", "W2", "b2"]
    for pref, kk, dims in (("xk", ks[5], (KV_IN, HIDDEN_DIM, OUTPUT_DIM)), ("xv", ks[6], (KV_IN, HIDDEN_DIM, N_HEADS)), ("xq", ks[7], (INPUT_DIM, HIDDEN_DIM, OUTPUT_DIM))):
        for n, a in zip(names, _mlp_params(kk, *dims)):
            inp[pref + "_" + n] = a
    return inp


def reference(h, rel_x, r_feat, final_x, batch, mask_ligand, edge_index, xk_W1, xk_b1, xk_g, xk_be, xk_W2, xk_b2, xv_W1, xv_b1, xv_g, xv_be, xv_W2, xv_b2, xq_W1, xq_b1, xq_g, xq_be, xq_W2, xq_b2):
    return _forward(h, rel_x, r_feat, final_x, xk_W1, xk_b1, xk_g, xk_be, xk_W2, xk_b2, xv_W1, xv_b1, xv_g, xv_be, xv_W2, xv_b2, xq_W1, xq_b1, xq_g, xq_be, xq_W2, xq_b2, batch, mask_ligand, edge_index)

if __name__ == "__main__":
    import jax
    _d = setup_inputs()
    print(jax.jit(kernel)(*tuple(_d.values())))

</pallas_src>

<mosaic_0001>
#map = affine_map<(d0, d1) -> (0, 0)>
#map1 = affine_map<(d0, d1) -> (0)>
#map2 = affine_map<(d0, d1) -> (0, 0, 0)>
module attributes {stable_mosaic.version = 14 : i64} {
  func.func @_sc_scatter(%arg0: i32, %arg1: i32, %arg2: memref<320000x128xf32, #tpu.memory_space<hbm>>, %arg3: memref<320000xi32, #tpu.memory_space<hbm>>, %arg4: memref<2x10240x128xf32, #tpu.memory_space<hbm>>, %arg5: memref<80xi32, #tpu.memory_space<vmem>>, %arg6: memref<80x128xf32, #tpu.memory_space<vmem>>, %arg7: memref<128x128xf32, #tpu.memory_space<vmem>>, %arg8: memref<10240x128xf32, #tpu.memory_space<vmem_shared>>) attributes {dimension_semantics = [#tpu.dimension_semantics<core_parallel>, #tpu.dimension_semantics<subcore_parallel>], iteration_bounds = array<i64: 2, 16>, scalar_prefetch = 0 : i64, scratch_operands = 4 : i64, tpu.core_type = #tpu.core_type<sc_vector_subcore>, window_params = [{transform_indices = #map}, {transform_indices = #map1}, {transform_indices = #map2}]} {
    %mul3A = arith.constant 2 : i32
    %mul3A_0 = arith.muli %arg1, %mul3A : i32
    %add3A = arith.addi %mul3A_0, %arg0 : i32
    %broadcast_in_dim3A = arith.constant 0.000000e+00 : f32
    %broadcast_in_dim3A_1 = vector.broadcast %broadcast_in_dim3A : f32 to vector<16xf32>
    %scan3A = arith.constant 0 : i32
    %scan3A_2 = arith.constant 0 : i32
    %scan3A_3 = arith.constant 128 : i32
    %scan3A_4 = arith.addi %scan3A_2, %scan3A_3 : i32
    %scan3A_5 = arith.constant 1 : i32
    scf.for %scan3A_24 = %scan3A_2 to %scan3A_4 step %scan3A_5  : i32 {
      %swap3A = arith.index_cast %scan3A_24 : i32 to index
      %swap3A_25 = arith.constant 0 : index
      %swap3A_26 = tpu.vector_load %arg7[%swap3A, %swap3A_25] {strides = array<i32>} : memref<128x128xf32, #tpu.memory_space<vmem>>, vector<1x16xf32>,
      %swap3A_27 = vector.shape_cast %swap3A_26 : vector<1x16xf32> to vector<16xf32>
      %swap3A_28 = vector.shape_cast %broadcast_in_dim3A_1 : vector<16xf32> to vector<1x16xf32>
      tpu.vector_store %arg7[%swap3A, %swap3A_25], %swap3A_28 {strides = array<i32>} : memref<128x128xf32, #tpu.memory_space<vmem>>, vector<1x16xf32>,
      %swap3A_29 = arith.index_cast %scan3A_24 : i32 to index
      %swap3A_30 = arith.constant 16 : index
      %swap3A_31 = tpu.vector_load %arg7[%swap3A_29, %swap3A_30] {strides = array<i32>} : memref<128x128xf32, #tpu.memory_space<vmem>>, vector<1x16xf32>,
      %swap3A_32 = vector.shape_cast %swap3A_31 : vector<1x16xf32> to vector<16xf32>
      %swap3A_33 = vector.shape_cast %broadcast_in_dim3A_1 : vector<16xf32> to vector<1x16xf32>
      tpu.vector_store %arg7[%swap3A_29, %swap3A_30], %swap3A_33 {strides = array<i32>} : memref<128x128xf32, #tpu.memory_space<vmem>>, vector<1x16xf32>,
      %swap3A_34 = arith.index_cast %scan3A_24 : i32 to index
      %swap3A_35 = arith.constant 32 : index
      %swap3A_36 = tpu.vector_load %arg7[%swap3A_34, %swap3A_35] {strides = array<i32>} : memref<128x128xf32, #tpu.memory_space<vmem>>, vector<1x16xf32>,
      %swap3A_37 = vector.shape_cast %swap3A_36 : vector<1x16xf32> to vector<16xf32>
      %swap3A_38 = vector.shape_cast %broadcast_in_dim3A_1 : vector<16xf32> to vector<1x16xf32>
      tpu.vector_store %arg7[%swap3A_34, %swap3A_35], %swap3A_38 {strides = array<i32>} : memref<128x128xf32, #tpu.memory_space<vmem>>, vector<1x16xf32>,
      %swap3A_39 = arith.index_cast %scan3A_24 : i32 to index
      %swap3A_40 = arith.constant 48 : index
      %swap3A_41 = tpu.vector_load %arg7[%swap3A_39, %swap3A_40] {strides = array<i32>} : memref<128x128xf32, #tpu.memory_space<vmem>>, vector<1x16xf32>,
      %swap3A_42 = vector.shape_cast %swap3A_41 : vector<1x16xf32> to vector<16xf32>
      %swap3A_43 = vector.shape_cast %broadcast_in_dim3A_1 : vector<16xf32> to vector<1x16xf32>
      tpu.vector_store %arg7[%swap3A_39, %swap3A_40], %swap3A_43 {strides = array<i32>} : memref<128x128xf32, #tpu.memory_space<vmem>>, vector<1x16xf32>,
      %swap3A_44 = arith.index_cast %scan3A_24 : i32 to index
      %swap3A_45 = arith.constant 64 : index
      %swap3A_46 = tpu.vector_load %arg7[%swap3A_44, %swap3A_45] {strides = array<i32>} : memref<128x128xf32, #tpu.memory_space<vmem>>, vector<1x16xf32>,
      %swap3A_47 = vector.shape_cast %swap3A_46 : vector<1x16xf32> to vector<16xf32>
      %swap3A_48 = vector.shape_cast %broadcast_in_dim3A_1 : vector<16xf32> to vector<1x16xf32>
      tpu.vector_store %arg7[%swap3A_44, %swap3A_45], %swap3A_48 {strides = array<i32>} : memref<128x128xf32, #tpu.memory_space<vmem>>, vector<1x16xf32>,
      %swap3A_49 = arith.index_cast %scan3A_24 : i32 to index
      %swap3A_50 = arith.constant 80 : index
      %swap3A_51 = tpu.vector_load %arg7[%swap3A_49, %swap3A_50] {strides = array<i32>} : memref<128x128xf32, #tpu.memory_space<vmem>>, vector<1x16xf32>,
      %swap3A_52 = vector.shape_cast %swap3A_51 : vector<1x16xf32> to vector<16xf32>
      %swap3A_53 = vector.shape_cast %broadcast_in_dim3A_1 : vector<16xf32> to vector<1x16xf32>
      tpu.vector_store %arg7[%swap3A_49, %swap3A_50], %swap3A_53 {strides = array<i32>} : memref<128x128xf32, #tpu.memory_space<vmem>>, vector<1x16xf32>,
      %swap3A_54 = arith.index_cast %scan3A_24 : i32 to index
      %swap3A_55 = arith.constant 96 : index
      %swap3A_56 = tpu.vector_load %arg7[%swap3A_54, %swap3A_55] {strides = array<i32>} : memref<128x128xf32, #tpu.memory_space<vmem>>, vector<1x16xf32>,
      %swap3A_57 = vector.shape_cast %swap3A_56 : vector<1x16xf32> to vector<16xf32>
      %swap3A_58 = vector.shape_cast %broadcast_in_dim3A_1 : vector<16xf32> to vector<1x16xf32>
      tpu.vector_store %arg7[%swap3A_54, %swap3A_55], %swap3A_58 {strides = array<i32>} : memref<128x128xf32, #tpu.memory_space<vmem>>, vector<1x16xf32>,
      %swap3A_59 = arith.index_cast %scan3A_24 : i32 to index
      %swap3A_60 = arith.constant 112 : index
      %swap3A_61 = tpu.vector_load %arg7[%swap3A_59, %swap3A_60] {strides = array<i32>} : memref<128x128xf32, #tpu.memory_space<vmem>>, vector<1x16xf32>,
      %swap3A_62 = vector.shape_cast %swap3A_61 : vector<1x16xf32> to vector<16xf32>
      %swap3A_63 = vector.shape_cast %broadcast_in_dim3A_1 : vector<16xf32> to vector<1x16xf32>
      tpu.vector_store %arg7[%swap3A_59, %swap3A_60], %swap3A_63 {strides = array<i32>} : memref<128x128xf32, #tpu.memory_space<vmem>>, vector<1x16xf32>,
    }
    %scan3A_6 = arith.constant 128 : i32
    %scan3A_7 = arith.constant 0 : i32
    %scan3A_8 = arith.constant 0 : i32
    %scan3A_9 = arith.constant 5 : i32
    %scan3A_10 = arith.addi %scan3A_8, %scan3A_9 : i32
    %scan3A_11 = arith.constant 1 : i32
    scf.for %scan3A_24 = %scan3A_8 to %scan3A_10 step %scan3A_11  : i32 {
      %mul3A_25 = arith.constant 640 : i32
      %mul3A_26 = arith.muli %arg1, %mul3A_25 : i32
      %mul3A_27 = arith.constant 128 : i32
      %mul3A_28 = arith.muli %scan3A_24, %mul3A_27 : i32
      %add3A_29 = arith.addi %mul3A_26, %mul3A_28 : i32
      "tpu.region"() ({
        %run_scoped3A = tpu.sem_alloc : memref<!tpu.dma_semaphore, #tpu.memory_space<semaphore_mem>>
        %dma_start3A = arith.constant 0 : i32
        %dma_start3A_30 = tpu.memref_slice %arg8[%add3A_29, %dma_start3A] : memref<10240x128xf32, #tpu.memory_space<vmem_shared>> -> memref<128x128xf32, #tpu.memory_space<vmem_shared>>
        %dma_start3A_31 = arith.constant 0 : i32
        %dma_start3A_32 = tpu.memref_slice %arg8[%add3A_29, %dma_start3A_31] : memref<10240x128xf32, #tpu.memory_space<vmem_shared>> -> memref<128x128xf32, #tpu.memory_space<vmem_shared>>
        tpu.enqueue_dma source(%arg7 : memref<128x128xf32, #tpu.memory_space<vmem>>) target(%dma_start3A_32 : memref<128x128xf32, #tpu.memory_space<vmem_shared>>) target_semaphore(%run_scoped3A : memref<!tpu.dma_semaphore, #tpu.memory_space<semaphore_mem>>)
        %dma_wait3A = arith.constant 0 : i32
        %dma_wait3A_33 = tpu.memref_slice %arg8[%add3A_29, %dma_wait3A] : memref<10240x128xf32, #tpu.memory_space<vmem_shared>> -> memref<128x128xf32, #tpu.memory_space<vmem_shared>>
        %dma_wait3A_34 = arith.constant 0 : i32
        %dma_wait3A_35 = tpu.memref_slice %arg8[%add3A_29, %dma_wait3A_34] : memref<10240x128xf32, #tpu.memory_space<vmem_shared>> -> memref<128x128xf32, #tpu.memory_space<vmem_shared>>
        tpu.wait_dma2 semaphore(%run_scoped3A : memref<!tpu.dma_semaphore, #tpu.memory_space<semaphore_mem>>) src(%arg7 : memref<128x128xf32, #tpu.memory_space<vmem>>) dst(%dma_wait3A_35 : memref<128x128xf32, #tpu.memory_space<vmem_shared>>)
        tpu.yield
      }) : () -> ()
    }
    %scan3A_12 = arith.constant 5 : i32
    %barrier3A = arith.constant 0 : index
    tpu.barrier barrier_id(%barrier3A)
    %scan3A_13 = arith.constant 0 : i32
    %scan3A_14 = arith.constant 0 : i32
    %scan3A_15 = arith.constant 125 : i32
    %scan3A_16 = arith.addi %scan3A_14, %scan3A_15 : i32
    %scan3A_17 = arith.constant 1 : i32
    scf.for %scan3A_24 = %scan3A_14 to %scan3A_16 step %scan3A_17  : i32 {
      %mul3A_25 = arith.constant 10000 : i32
      %mul3A_26 = arith.muli %add3A, %mul3A_25 : i32
      %mul3A_27 = arith.constant 80 : i32
      %mul3A_28 = arith.muli %scan3A_24, %mul3A_27 : i32
      %add3A_29 = arith.addi %mul3A_26, %mul3A_28 : i32
      "tpu.region"() ({
        %run_scoped3A = tpu.sem_alloc : memref<!tpu.dma_semaphore, #tpu.memory_space<semaphore_mem>>
        %dma_start3A = arith.constant 0 : i32
        %dma_start3A_30 = tpu.memref_slice %arg2[%add3A_29, %dma_start3A] : memref<320000x128xf32, #tpu.memory_space<hbm>> -> memref<80x128xf32, #tpu.memory_space<hbm>>
        %dma_start3A_31 = arith.constant 0 : i32
        %dma_start3A_32 = tpu.memref_slice %arg2[%add3A_29, %dma_start3A_31] : memref<320000x128xf32, #tpu.memory_space<hbm>> -> memref<80x128xf32, #tpu.memory_space<hbm>>
        tpu.enqueue_dma source(%dma_start3A_32 : memref<80x128xf32, #tpu.memory_space<hbm>>) target(%arg6 : memref<80x128xf32, #tpu.memory_space<vmem>>) target_semaphore(%run_scoped3A : memref<!tpu.dma_semaphore, #tpu.memory_space<semaphore_mem>>)
        %dma_wait3A = arith.constant 0 : i32
        %dma_wait3A_33 = tpu.memref_slice %arg2[%add3A_29, %dma_wait3A] : memref<320000x128xf32, #tpu.memory_space<hbm>> -> memref<80x128xf32, #tpu.memory_space<hbm>>
        %dma_wait3A_34 = arith.constant 0 : i32
        %dma_wait3A_35 = tpu.memref_slice %arg2[%add3A_29, %dma_wait3A_34] : memref<320000x128xf32, #tpu.memory_space<hbm>> -> memref<80x128xf32, #tpu.memory_space<hbm>>
        tpu.wait_dma2 semaphore(%run_scoped3A : memref<!tpu.dma_semaphore, #tpu.memory_space<semaphore_mem>>) src(%dma_wait3A_35 : memref<80x128xf32, #tpu.memory_space<hbm>>) dst(%arg6 : memref<80x128xf32, #tpu.memory_space<vmem>>)
        tpu.yield
      }) : () -> ()
      "tpu.region"() ({
        %run_scoped3A = tpu.sem_alloc : memref<!tpu.dma_semaphore, #tpu.memory_space<semaphore_mem>>
        %dma_start3A = tpu.memref_slice %arg3[%add3A_29] : memref<320000xi32, #tpu.memory_space<hbm>> -> memref<80xi32, #tpu.memory_space<hbm>>
        %dma_start3A_30 = tpu.memref_slice %arg3[%add3A_29] : memref<320000xi32, #tpu.memory_space<hbm>> -> memref<80xi32, #tpu.memory_space<hbm>>
        tpu.enqueue_dma source(%dma_start3A_30 : memref<80xi32, #tpu.memory_space<hbm>>) target(%arg5 : memref<80xi32, #tpu.memory_space<vmem>>) target_semaphore(%run_scoped3A : memref<!tpu.dma_semaphore, #tpu.memory_space<semaphore_mem>>)
        %dma_wait3A = tpu.memref_slice %arg3[%add3A_29] : memref<320000xi32, #tpu.memory_space<hbm>> -> memref<80xi32, #tpu.memory_space<hbm>>
        %dma_wait3A_31 = tpu.memref_slice %arg3[%add3A_29] : memref<320000xi32, #tpu.memory_space<hbm>> -> memref<80xi32, #tpu.memory_space<hbm>>
        tpu.wait_dma2 semaphore(%run_scoped3A : memref<!tpu.dma_semaphore, #tpu.memory_space<semaphore_mem>>) src(%dma_wait3A_31 : memref<80xi32, #tpu.memory_space<hbm>>) dst(%arg5 : memref<80xi32, #tpu.memory_space<vmem>>)
        tpu.yield
      }) : () -> ()
      "tpu.region"() ({
        %run_scoped3A = tpu.sem_alloc : memref<!tpu.dma_semaphore, #tpu.memory_space<semaphore_mem>>
        %dma_start3A = arith.constant 0 : i32
        %dma_start3A_30 = arith.constant 0 : i32
        %dma_start3A_31 = tpu.memref_slice %arg8[%dma_start3A, %dma_start3A_30] : memref<10240x128xf32, #tpu.memory_space<vmem_shared>> -> memref<10240x128xf32, #tpu.memory_space<vmem_shared>>
        tpu.enqueue_indirect_dma source(%arg6 : memref<80x128xf32, #tpu.memory_space<vmem>>) target(%dma_start3A_31 : memref<10240x128xf32, #tpu.memory_space<vmem_shared>>) offsets(%arg5 : memref<80xi32, #tpu.memory_space<vmem>>) semaphore(%run_scoped3A : memref<!tpu.dma_semaphore, #tpu.memory_space<semaphore_mem>>) {add = true}
        %dma_wait3A = arith.constant 0 : i32
        %dma_wait3A_32 = arith.constant 0 : i32
        %dma_wait3A_33 = tpu.memref_slice %arg8[%dma_wait3A, %dma_wait3A_32] : memref<10240x128xf32, #tpu.memory_space<vmem_shared>> -> memref<10240x128xf32, #tpu.memory_space<vmem_shared>>
        tpu.wait_indirect_dma semaphore(%run_scoped3A : memref<!tpu.dma_semaphore, #tpu.memory_space<semaphore_mem>>) src(%arg6 : memref<80x128xf32, #tpu.memory_space<vmem>>) dst(%dma_wait3A_33 : memref<10240x128xf32, #tpu.memory_space<vmem_shared>>)
        tpu.yield
      }) : () -> ()
    }
    %scan3A_18 = arith.constant 125 : i32
    %barrier3A_19 = arith.constant 0 : index
    tpu.barrier barrier_id(%barrier3A_19)
    %mul3A_20 = arith.constant 640 : i32
    %mul3A_21 = arith.muli %arg1, %mul3A_20 : i32
    %mul3A_22 = arith.constant 640 : i32
    %mul3A_23 = arith.muli %arg1, %mul3A_22 : i32
    "tpu.region"() ({
      %run_scoped3A = tpu.sem_alloc : memref<!tpu.dma_semaphore, #tpu.memory_space<semaphore_mem>>
      %dma_start3A = arith.constant 0 : i32
      %dma_start3A_24 = tpu.memref_slice %arg4[%arg0, %mul3A_23, %dma_start3A] : memref<2x10240x128xf32, #tpu.memory_space<hbm>> -> memref<1x640x128xf32, #tpu.memory_space<hbm>>
      %dma_start3A_25 = tpu.memref_squeeze %dma_start3A_24 : memref<1x640x128xf32, #tpu.memory_space<hbm>> -> memref<640x128xf32, #tpu.memory_space<hbm>>
      %dma_start3A_26 = arith.constant 0 : i32
      %dma_start3A_27 = tpu.memref_slice %arg8[%mul3A_21, %dma_start3A_26] : memref<10240x128xf32, #tpu.memory_space<vmem_shared>> -> memref<640x128xf32, #tpu.memory_space<vmem_shared>>
      tpu.enqueue_dma source(%dma_start3A_27 : memref<640x128xf32, #tpu.memory_space<vmem_shared>>) target(%dma_start3A_25 : memref<640x128xf32, #tpu.memory_space<hbm>>) target_semaphore(%run_scoped3A : memref<!tpu.dma_semaphore, #tpu.memory_space<semaphore_mem>>)
      %dma_wait3A = arith.constant 0 : i32
      %dma_wait3A_28 = tpu.memref_slice %arg4[%arg0, %mul3A_23, %dma_wait3A] : memref<2x10240x128xf32, #tpu.memory_space<hbm>> -> memref<1x640x128xf32, #tpu.memory_space<hbm>>
      %dma_wait3A_29 = tpu.memref_squeeze %dma_wait3A_28 : memref<1x640x128xf32, #tpu.memory_space<hbm>> -> memref<640x128xf32, #tpu.memory_space<hbm>>
      %dma_wait3A_30 = arith.constant 0 : i32
      %dma_wait3A_31 = tpu.memref_slice %arg8[%mul3A_21, %dma_wait3A_30] : memref<10240x128xf32, #tpu.memory_space<vmem_shared>> -> memref<640x128xf32, #tpu.memory_space<vmem_shared>>
      tpu.wait_dma2 semaphore(%run_scoped3A : memref<!tpu.dma_semaphore, #tpu.memory_space<semaphore_mem>>) src(%dma_wait3A_31 : memref<640x128xf32, #tpu.memory_space<vmem_shared>>) dst(%dma_wait3A_29 : memref<640x128xf32, #tpu.memory_space<hbm>>)
      tpu.yield
    }) : () -> ()
    return
  }
}

#map = affine_map<(d0, d1) -> (0, 0)>
#map1 = affine_map<(d0, d1) -> (0)>
module attributes {stable_mosaic.version = 14 : i64} {
  func.func @_sc_gather(%arg0: i32, %arg1: i32, %arg2: memref<10000x256xf32, #tpu.memory_space<hbm>>, %arg3: memref<10000x384xf32, #tpu.memory_space<hbm>>, %arg4: memref<320000xi32, #tpu.memory_space<hbm>>, %arg5: memref<320000xi32, #tpu.memory_space<hbm>>, %arg6: memref<320000x256xf32, #tpu.memory_space<hbm>>, %arg7: memref<320000x384xf32, #tpu.memory_space<hbm>>, %arg8: memref<80xi32, #tpu.memory_space<vmem>>, %arg9: memref<80xi32, #tpu.memory_space<vmem>>, %arg10: memref<80x256xf32, #tpu.memory_space<vmem>>, %arg11: memref<80x384xf32, #tpu.memory_space<vmem>>, %arg12: memref<!tpu.dma_semaphore, #tpu.memory_space<semaphore_mem>>, %arg13: memref<!tpu.dma_semaphore, #tpu.memory_space<semaphore_mem>>) attributes {dimension_semantics = [#tpu.dimension_semantics<core_parallel>, #tpu.dimension_semantics<subcore_parallel>], iteration_bounds = array<i64: 2, 16>, scalar_prefetch = 0 : i64, scratch_operands = 6 : i64, tpu.core_type = #tpu.core_type<sc_vector_subcore>, window_params = [{transform_indices = #map}, {transform_indices = #map}, {transform_indices = #map1}, {transform_indices = #map1}, {transform_indices = #map}, {transform_indices = #map}]} {
    %mul3A = arith.constant 2 : i32
    %mul3A_0 = arith.muli %arg1, %mul3A : i32
    %add3A = arith.addi %mul3A_0, %arg0 : i32
    %mul3A_1 = arith.constant 10000 : i32
    %mul3A_2 = arith.muli %add3A, %mul3A_1 : i32
    %scan3A = arith.constant 0 : i32
    %scan3A_3 = arith.constant 0 : i32
    %scan3A_4 = arith.constant 125 : i32
    %scan3A_5 = arith.addi %scan3A_3, %scan3A_4 : i32
    %scan3A_6 = arith.constant 1 : i32
    scf.for %scan3A_8 = %scan3A_3 to %scan3A_5 step %scan3A_6  : i32 {
      %mul3A_9 = arith.constant 80 : i32
      %mul3A_10 = arith.muli %scan3A_8, %mul3A_9 : i32
      %add3A_11 = arith.addi %mul3A_2, %mul3A_10 : i32
      "tpu.region"() ({
        %run_scoped3A = tpu.sem_alloc : memref<!tpu.dma_semaphore, #tpu.memory_space<semaphore_mem>>
        %dma_start3A_22 = tpu.memref_slice %arg4[%add3A_11] : memref<320000xi32, #tpu.memory_space<hbm>> -> memref<80xi32, #tpu.memory_space<hbm>>
        %dma_start3A_23 = tpu.memref_slice %arg4[%add3A_11] : memref<320000xi32, #tpu.memory_space<hbm>> -> memref<80xi32, #tpu.memory_space<hbm>>
        tpu.enqueue_dma source(%dma_start3A_23 : memref<80xi32, #tpu.memory_space<hbm>>) target(%arg8 : memref<80xi32, #tpu.memory_space<vmem>>) target_semaphore(%run_scoped3A : memref<!tpu.dma_semaphore, #tpu.memory_space<semaphore_mem>>)
        %dma_wait3A_24 = tpu.memref_slice %arg4[%add3A_11] : memref<320000xi32, #tpu.memory_space<hbm>> -> memref<80xi32, #tpu.memory_space<hbm>>
        %dma_wait3A_25 = tpu.memref_slice %arg4[%add3A_11] : memref<320000xi32, #tpu.memory_space<hbm>> -> memref<80xi32, #tpu.memory_space<hbm>>
        tpu.wait_dma2 semaphore(%run_scoped3A : memref<!tpu.dma_semaphore, #tpu.memory_space<semaphore_mem>>) src(%dma_wait3A_25 : memref<80xi32, #tpu.memory_space<hbm>>) dst(%arg8 : memref<80xi32, #tpu.memory_space<vmem>>)
        tpu.yield
      }) : () -> ()
      "tpu.region"() ({
        %run_scoped3A = tpu.sem_alloc : memref<!tpu.dma_semaphore, #tpu.memory_space<semaphore_mem>>
        %dma_start3A_22 = tpu.memref_slice %arg5[%add3A_11] : memref<320000xi32, #tpu.memory_space<hbm>> -> memref<80xi32, #tpu.memory_space<hbm>>
        %dma_start3A_23 = tpu.memref_slice %arg5[%add3A_11] : memref<320000xi32, #tpu.memory_space<hbm>> -> memref<80xi32, #tpu.memory_space<hbm>>
        tpu.enqueue_dma source(%dma_start3A_23 : memref<80xi32, #tpu.memory_space<hbm>>) target(%arg9 : memref<80xi32, #tpu.memory_space<vmem>>) target_semaphore(%run_scoped3A : memref<!tpu.dma_semaphore, #tpu.memory_space<semaphore_mem>>)
        %dma_wait3A_24 = tpu.memref_slice %arg5[%add3A_11] : memref<320000xi32, #tpu.memory_space<hbm>> -> memref<80xi32, #tpu.memory_space<hbm>>
        %dma_wait3A_25 = tpu.memref_slice %arg5[%add3A_11] : memref<320000xi32, #tpu.memory_space<hbm>> -> memref<80xi32, #tpu.memory_space<hbm>>
        tpu.wait_dma2 semaphore(%run_scoped3A : memref<!tpu.dma_semaphore, #tpu.memory_space<semaphore_mem>>) src(%dma_wait3A_25 : memref<80xi32, #tpu.memory_space<hbm>>) dst(%arg9 : memref<80xi32, #tpu.memory_space<vmem>>)
        tpu.yield
      }) : () -> ()
      %dma_start3A = arith.constant 0 : i32
      %dma_start3A_12 = arith.constant 0 : i32
      %dma_start3A_13 = tpu.memref_slice %arg2[%dma_start3A, %dma_start3A_12] : memref<10000x256xf32, #tpu.memory_space<hbm>> -> memref<10000x256xf32, #tpu.memory_space<hbm>>
      tpu.enqueue_indirect_dma source(%dma_start3A_13 : memref<10000x256xf32, #tpu.memory_space<hbm>>) target(%arg10 : memref<80x256xf32, #tpu.memory_space<vmem>>) offsets(%arg8 : memref<80xi32, #tpu.memory_space<vmem>>) semaphore(%arg12 : memref<!tpu.dma_semaphore, #tpu.memory_space<semaphore_mem>>)
      %dma_start3A_14 = arith.constant 0 : i32
      %dma_start3A_15 = arith.constant 0 : i32
      %dma_start3A_16 = tpu.memref_slice %arg3[%dma_start3A_14, %dma_start3A_15] : memref<10000x384xf32, #tpu.memory_space<hbm>> -> memref<10000x384xf32, #tpu.memory_space<hbm>>
      tpu.enqueue_indirect_dma source(%dma_start3A_16 : memref<10000x384xf32, #tpu.memory_space<hbm>>) target(%arg11 : memref<80x384xf32, #tpu.memory_space<vmem>>) offsets(%arg9 : memref<80xi32, #tpu.memory_space<vmem>>) semaphore(%arg13 : memref<!tpu.dma_semaphore, #tpu.memory_space<semaphore_mem>>)
      %dma_wait3A = arith.constant 0 : i32
      %dma_wait3A_17 = arith.constant 0 : i32
      %dma_wait3A_18 = tpu.memref_slice %arg2[%dma_wait3A, %dma_wait3A_17] : memref<10000x256xf32, #tpu.memory_space<hbm>> -> memref<10000x256xf32, #tpu.memory_space<hbm>>
      tpu.wait_indirect_dma semaphore(%arg12 : memref<!tpu.dma_semaphore, #tpu.memory_space<semaphore_mem>>) src(%dma_wait3A_18 : memref<10000x256xf32, #tpu.memory_space<hbm>>) dst(%arg10 : memref<80x256xf32, #tpu.memory_space<vmem>>)
      %dma_wait3A_19 = arith.constant 0 : i32
      %dma_wait3A_20 = arith.constant 0 : i32
      %dma_wait3A_21 = tpu.memref_slice %arg3[%dma_wait3A_19, %dma_wait3A_20] : memref<10000x384xf32, #tpu.memory_space<hbm>> -> memref<10000x384xf32, #tpu.memory_space<hbm>>
      tpu.wait_indirect_dma semaphore(%arg13 : memref<!tpu.dma_semaphore, #tpu.memory_space<semaphore_mem>>) src(%dma_wait3A_21 : memref<10000x384xf32, #tpu.memory_space<hbm>>) dst(%arg11 : memref<80x384xf32, #tpu.memory_space<vmem>>)
      "tpu.region"() ({
        %run_scoped3A = tpu.sem_alloc : memref<!tpu.dma_semaphore, #tpu.memory_space<semaphore_mem>>
        %dma_start3A_22 = arith.constant 0 : i32
        %dma_start3A_23 = tpu.memref_slice %arg6[%add3A_11, %dma_start3A_22] : memref<320000x256xf32, #tpu.memory_space<hbm>> -> memref<80x256xf32, #tpu.memory_space<hbm>>
        %dma_start3A_24 = arith.constant 0 : i32
        %dma_start3A_25 = tpu.memref_slice %arg6[%add3A_11, %dma_start3A_24] : memref<320000x256xf32, #tpu.memory_space<hbm>> -> memref<80x256xf32, #tpu.memory_space<hbm>>
        tpu.enqueue_dma source(%arg10 : memref<80x256xf32, #tpu.memory_space<vmem>>) target(%dma_start3A_25 : memref<80x256xf32, #tpu.memory_space<hbm>>) target_semaphore(%run_scoped3A : memref<!tpu.dma_semaphore, #tpu.memory_space<semaphore_mem>>)
        %dma_wait3A_26 = arith.constant 0 : i32
        %dma_wait3A_27 = tpu.memref_slice %arg6[%add3A_11, %dma_wait3A_26] : memref<320000x256xf32, #tpu.memory_space<hbm>> -> memref<80x256xf32, #tpu.memory_space<hbm>>
        %dma_wait3A_28 = arith.constant 0 : i32
        %dma_wait3A_29 = tpu.memref_slice %arg6[%add3A_11, %dma_wait3A_28] : memref<320000x256xf32, #tpu.memory_space<hbm>> -> memref<80x256xf32, #tpu.memory_space<hbm>>
        tpu.wait_dma2 semaphore(%run_scoped3A : memref<!tpu.dma_semaphore, #tpu.memory_space<semaphore_mem>>) src(%arg10 : memref<80x256xf32, #tpu.memory_space<vmem>>) dst(%dma_wait3A_29 : memref<80x256xf32, #tpu.memory_space<hbm>>)
        tpu.yield
      }) : () -> ()
      "tpu.region"() ({
        %run_scoped3A = tpu.sem_alloc : memref<!tpu.dma_semaphore, #tpu.memory_space<semaphore_mem>>
        %dma_start3A_22 = arith.constant 0 : i32
        %dma_start3A_23 = tpu.memref_slice %arg7[%add3A_11, %dma_start3A_22] : memref<320000x384xf32, #tpu.memory_space<hbm>> -> memref<80x384xf32, #tpu.memory_space<hbm>>
        %dma_start3A_24 = arith.constant 0 : i32
        %dma_start3A_25 = tpu.memref_slice %arg7[%add3A_11, %dma_start3A_24] : memref<320000x384xf32, #tpu.memory_space<hbm>> -> memref<80x384xf32, #tpu.memory_space<hbm>>
        tpu.enqueue_dma source(%arg11 : memref<80x384xf32, #tpu.memory_space<vmem>>) target(%dma_start3A_25 : memref<80x384xf32, #tpu.memory_space<hbm>>) target_semaphore(%run_scoped3A : memref<!tpu.dma_semaphore, #tpu.memory_space<semaphore_mem>>)
        %dma_wait3A_26 = arith.constant 0 : i32
        %dma_wait3A_27 = tpu.memref_slice %arg7[%add3A_11, %dma_wait3A_26] : memref<320000x384xf32, #tpu.memory_space<hbm>> -> memref<80x384xf32, #tpu.memory_space<hbm>>
        %dma_wait3A_28 = arith.constant 0 : i32
        %dma_wait3A_29 = tpu.memref_slice %arg7[%add3A_11, %dma_wait3A_28] : memref<320000x384xf32, #tpu.memory_space<hbm>> -> memref<80x384xf32, #tpu.memory_space<hbm>>
        tpu.wait_dma2 semaphore(%run_scoped3A : memref<!tpu.dma_semaphore, #tpu.memory_space<semaphore_mem>>) src(%arg11 : memref<80x384xf32, #tpu.memory_space<vmem>>) dst(%dma_wait3A_29 : memref<80x384xf32, #tpu.memory_space<hbm>>)
        tpu.yield
      }) : () -> ()
    }
    %scan3A_7 = arith.constant 125 : i32
    return
  }
}

module attributes {stable_mosaic.version = 14 : i64} {
  func.func @_node_body(%arg0: i32, %arg1: memref<1000x128xf32, #tpu.memory_space<vmem>>, %arg2: memref<1000x1xf32, #tpu.memory_space<vmem>>, %arg3: memref<128x256xf32, #tpu.memory_space<vmem>>, %arg4: memref<128x256xf32, #tpu.memory_space<vmem>>, %arg5: memref<128x128xf32, #tpu.memory_space<vmem>>, %arg6: memref<1x128xf32, #tpu.memory_space<vmem>>, %arg7: memref<1x128xf32, #tpu.memory_space<vmem>>, %arg8: memref<1x128xf32, #tpu.memory_space<vmem>>, %arg9: memref<128x128xf32, #tpu.memory_space<vmem>>, %arg10: memref<1x128xf32, #tpu.memory_space<vmem>>, %arg11: memref<1000x256xf32, #tpu.memory_space<vmem>>, %arg12: memref<1000x384xf32, #tpu.memory_space<vmem>>) attributes {dimension_semantics = [#tpu.dimension_semantics<arbitrary>], iteration_bounds = array<i64: 10>, scalar_prefetch = 0 : i64, scratch_operands = 0 : i64, tpu.core_type = #tpu.core_type<tc>, window_params = [{transform_indices = @transform_0, window_bounds = array<i64: 1000, 128>}, {transform_indices = @transform_1, window_bounds = array<i64: 1000, 1>}, {pipeline_mode = #tpu.pipeline_mode<synchronous>, transform_indices = @transform_2, window_bounds = array<i64: 128, 256>}, {pipeline_mode = #tpu.pipeline_mode<synchronous>, transform_indices = @transform_3, window_bounds = array<i64: 128, 256>}, {pipeline_mode = #tpu.pipeline_mode<synchronous>, transform_indices = @transform_4, window_bounds = array<i64: 128, 128>}, {pipeline_mode = #tpu.pipeline_mode<synchronous>, transform_indices = @transform_5, window_bounds = array<i64: 1, 128>}, {pipeline_mode = #tpu.pipeline_mode<synchronous>, transform_indices = @transform_6, window_bounds = array<i64: 1, 128>}, {pipeline_mode = #tpu.pipeline_mode<synchronous>, transform_indices = @transform_7, window_bounds = array<i64: 1, 128>}, {pipeline_mode = #tpu.pipeline_mode<synchronous>, transform_indices = @transform_8, window_bounds = array<i64: 128, 128>}, {pipeline_mode = #tpu.pipeline_mode<synchronous>, transform_indices = @transform_9, window_bounds = array<i64: 1, 128>}, {transform_indices = @transform_10, window_bounds = array<i64: 1000, 256>}, {transform_indices = @transform_11, window_bounds = array<i64: 1000, 384>}]} {
    %get3A = arith.constant 0 : index
    %get3A_0 = arith.constant 0 : index
    %get3A_1 = vector.load %arg1[%get3A, %get3A_0] : memref<1000x128xf32, #tpu.memory_space<vmem>>, vector<1000x128xf32>
    %get3A_2 = arith.constant 0 : index
    %get3A_3 = arith.constant 0 : index
    %get3A_4 = vector.load %arg3[%get3A_2, %get3A_3] : memref<128x256xf32, #tpu.memory_space<vmem>>, vector<128x256xf32>
    %dot_general3A = arith.constant dense<0.000000e+00> : vector<1000x256xf32>
    %dot_general3A_5 = tpu.matmul %get3A_1, %get3A_4, %dot_general3A {dimension_numbers = #tpu.dot_dimension_numbers<[1], [0], [0], [1], [0, 0, 1, 1], [], []>, transpose_lhs_hint = false} : vector<1000x128xf32>, vector<128x256xf32>, vector<1000x256xf32> -> vector<1000x256xf32>
    %swap3A = arith.constant 0 : index
    %swap3A_6 = arith.constant 0 : index
    %swap3A_7 = vector.load %arg11[%swap3A, %swap3A_6] : memref<1000x256xf32, #tpu.memory_space<vmem>>, vector<1000x256xf32>
    tpu.vector_store %arg11[%swap3A, %swap3A_6], %dot_general3A_5 {strides = array<i32>} : memref<1000x256xf32, #tpu.memory_space<vmem>>, vector<1000x256xf32>,
    %get3A_8 = arith.constant 0 : index
    %get3A_9 = arith.constant 0 : index
    %get3A_10 = vector.load %arg4[%get3A_8, %get3A_9] : memref<128x256xf32, #tpu.memory_space<vmem>>, vector<128x256xf32>
    %dot_general3A_11 = arith.constant dense<0.000000e+00> : vector<1000x256xf32>
    %dot_general3A_12 = tpu.matmul %get3A_1, %get3A_10, %dot_general3A_11 {dimension_numbers = #tpu.dot_dimension_numbers<[1], [0], [0], [1], [0, 0, 1, 1], [], []>, transpose_lhs_hint = false} : vector<1000x128xf32>, vector<128x256xf32>, vector<1000x256xf32> -> vector<1000x256xf32>
    %get3A_13 = arith.constant 0 : index
    %get3A_14 = arith.constant 0 : index
    %get3A_15 = vector.load %arg2[%get3A_13, %get3A_14] : memref<1000x1xf32, #tpu.memory_space<vmem>>, vector<1000x1xf32>
    %mul3A = vector.broadcast %get3A_15 : vector<1000x1xf32> to vector<1000x128xf32>
    %mul3A_16 = arith.mulf %get3A_1, %mul3A : vector<1000x128xf32>
    %get3A_17 = arith.constant 0 : index
    %get3A_18 = arith.constant 0 : index
    %get3A_19 = vector.load %arg5[%get3A_17, %get3A_18] : memref<128x128xf32, #tpu.memory_space<vmem>>, vector<128x128xf32>
    %dot_general3A_20 = arith.constant dense<0.000000e+00> : vector<1000x128xf32>
    %dot_general3A_21 = tpu.matmul %mul3A_16, %get3A_19, %dot_general3A_20 {dimension_numbers = #tpu.dot_dimension_numbers<[1], [0], [0], [1], [0, 0, 1, 1], [], []>, transpose_lhs_hint = false} : vector<1000x128xf32>, vector<128x128xf32>, vector<1000x128xf32> -> vector<1000x128xf32>
    %get3A_22 = arith.constant 0 : index
    %get3A_23 = arith.constant 0 : index
    %get3A_24 = vector.load %arg6[%get3A_22, %get3A_23] : memref<1x128xf32, #tpu.memory_space<vmem>>, vector<1x128xf32>
    %add3A = vector.broadcast %get3A_24 : vector<1x128xf32> to vector<1000x128xf32>
    %add3A_25 = arith.addf %dot_general3A_21, %add3A : vector<1000x128xf32>
    %get3A_26 = arith.constant 0 : index
    %get3A_27 = arith.constant 0 : index
    %get3A_28 = vector.load %arg7[%get3A_26, %get3A_27] : memref<1x128xf32, #tpu.memory_space<vmem>>, vector<1x128xf32>
    %get3A_29 = arith.constant 0 : index
    %get3A_30 = arith.constant 0 : index
    %get3A_31 = vector.load %arg8[%get3A_29, %get3A_30] : memref<1x128xf32, #tpu.memory_space<vmem>>, vector<1x128xf32>
    %reduce_sum3A = arith.constant dense<0.000000e+00> : vector<1000xf32>
    %reduce_sum3A_32 = vector.multi_reduction <add>, %add3A_25, %reduce_sum3A [1] : vector<1000x128xf32> to vector<1000xf32>
    %broadcast_in_dim3A = vector.shape_cast %reduce_sum3A_32 : vector<1000xf32> to vector<1000x1xf32>
    %div3A = arith.constant 1.280000e+02 : f32
    %div3A_33 = vector.broadcast %div3A : f32 to vector<1000x1xf32>
    %div3A_34 = arith.divf %broadcast_in_dim3A, %div3A_33 : vector<1000x1xf32>
    %sub3A = vector.broadcast %div3A_34 : vector<1000x1xf32> to vector<1000x128xf32>
    %sub3A_35 = arith.subf %add3A_25, %sub3A : vector<1000x128xf32>
    %sub3A_36 = vector.broadcast %div3A_34 : vector<1000x1xf32> to vector<1000x128xf32>
    %sub3A_37 = arith.subf %add3A_25, %sub3A_36 : vector<1000x128xf32>
    %mul3A_38 = arith.mulf %sub3A_35, %sub3A_37 : vector<1000x128xf32>
    %reduce_sum3A_39 = arith.constant dense<0.000000e+00> : vector<1000xf32>
    %reduce_sum3A_40 = vector.multi_reduction <add>, %mul3A_38, %reduce_sum3A_39 [1] : vector<1000x128xf32> to vector<1000xf32>
    %broadcast_in_dim3A_41 = vector.shape_cast %reduce_sum3A_40 : vector<1000xf32> to vector<1000x1xf32>
    %div3A_42 = arith.constant 1.280000e+02 : f32
    %div3A_43 = vector.broadcast %div3A_42 : f32 to vector<1000x1xf32>
    %div3A_44 = arith.divf %broadcast_in_dim3A_41, %div3A_43 : vector<1000x1xf32>
    %sub3A_45 = vector.broadcast %div3A_34 : vector<1000x1xf32> to vector<1000x128xf32>
    %sub3A_46 = arith.subf %add3A_25, %sub3A_45 : vector<1000x128xf32>
    %add3A_47 = arith.constant 9.99999974E-6 : f32
    %add3A_48 = vector.broadcast %add3A_47 : f32 to vector<1000x1xf32>
    %add3A_49 = arith.addf %div3A_44, %add3A_48 : vector<1000x1xf32>
    %sqrt3A = math.sqrt %add3A_49 : vector<1000x1xf32>
    %div3A_50 = vector.broadcast %sqrt3A : vector<1000x1xf32> to vector<1000x128xf32>
    %div3A_51 = arith.divf %sub3A_46, %div3A_50 : vector<1000x128xf32>
    %mul3A_52 = vector.broadcast %get3A_28 : vector<1x128xf32> to vector<1000x128xf32>
    %mul3A_53 = arith.mulf %div3A_51, %mul3A_52 : vector<1000x128xf32>
    %add3A_54 = vector.broadcast %get3A_31 : vector<1x128xf32> to vector<1000x128xf32>
    %add3A_55 = arith.addf %mul3A_53, %add3A_54 : vector<1000x128xf32>
    %max3A = arith.constant 0.000000e+00 : f32
    %max3A_56 = vector.broadcast %max3A : f32 to vector<1000x128xf32>
    %max3A_57 = arith.maximumf %add3A_55, %max3A_56 : vector<1000x128xf32>
    %get3A_58 = arith.constant 0 : index
    %get3A_59 = arith.constant 0 : index
    %get3A_60 = vector.load %arg9[%get3A_58, %get3A_59] : memref<128x128xf32, #tpu.memory_space<vmem>>, vector<128x128xf32>
    %dot_general3A_61 = arith.constant dense<0.000000e+00> : vector<1000x128xf32>
    %dot_general3A_62 = tpu.matmul %max3A_57, %get3A_60, %dot_general3A_61 {dimension_numbers = #tpu.dot_dimension_numbers<[1], [0], [0], [1], [0, 0, 1, 1], [], []>, transpose_lhs_hint = false} : vector<1000x128xf32>, vector<128x128xf32>, vector<1000x128xf32> -> vector<1000x128xf32>
    %get3A_63 = arith.constant 0 : index
    %get3A_64 = arith.constant 0 : index
    %get3A_65 = vector.load %arg10[%get3A_63, %get3A_64] : memref<1x128xf32, #tpu.memory_space<vmem>>, vector<1x128xf32>
    %add3A_66 = vector.broadcast %get3A_65 : vector<1x128xf32> to vector<1000x128xf32>
    %add3A_67 = arith.addf %dot_general3A_62, %add3A_66 : vector<1000x128xf32>
    %concatenate3A = tpu.concatenate %dot_general3A_12, %add3A_67 in 1 : vector<1000x256xf32>, vector<1000x128xf32> -> vector<1000x384xf32>
    %swap3A_68 = arith.constant 0 : index
    %swap3A_69 = arith.constant 0 : index
    %swap3A_70 = vector.load %arg12[%swap3A_68, %swap3A_69] : memref<1000x384xf32, #tpu.memory_space<vmem>>, vector<1000x384xf32>
    tpu.vector_store %arg12[%swap3A_68, %swap3A_69], %concatenate3A {strides = array<i32>} : memref<1000x384xf32, #tpu.memory_space<vmem>>, vector<1000x384xf32>,
    return
  }
  func.func @transform_0(%arg0: i32) -> (i32, i32) {
    %c0_i32 = arith.constant 0 : i32
    %c0_i32_0 = arith.constant 0 : i32
    return %arg0, %c0_i32 : i32, i32
  }
  func.func @transform_1(%arg0: i32) -> (i32, i32) {
    %c0_i32 = arith.constant 0 : i32
    %c0_i32_0 = arith.constant 0 : i32
    return %arg0, %c0_i32 : i32, i32
  }
  func.func @transform_2(%arg0: i32) -> (i32, i32) {
    %c0_i32 = arith.constant 0 : i32
    %c0_i32_0 = arith.constant 0 : i32
    %c0_i32_1 = arith.constant 0 : i32
    return %c0_i32, %c0_i32_0 : i32, i32
  }
  func.func @transform_3(%arg0: i32) -> (i32, i32) {
    %c0_i32 = arith.constant 0 : i32
    %c0_i32_0 = arith.constant 0 : i32
    %c0_i32_1 = arith.constant 0 : i32
    return %c0_i32, %c0_i32_0 : i32, i32
  }
  func.func @transform_4(%arg0: i32) -> (i32, i32) {
    %c0_i32 = arith.constant 0 : i32
    %c0_i32_0 = arith.constant 0 : i32
    %c0_i32_1 = arith.constant 0 : i32
    return %c0_i32, %c0_i32_0 : i32, i32
  }
  func.func @transform_5(%arg0: i32) -> (i32, i32) {
    %c0_i32 = arith.constant 0 : i32
    %c0_i32_0 = arith.constant 0 : i32
    %c0_i32_1 = arith.constant 0 : i32
    return %c0_i32, %c0_i32_0 : i32, i32
  }
  func.func @transform_6(%arg0: i32) -> (i32, i32) {
    %c0_i32 = arith.constant 0 : i32
    %c0_i32_0 = arith.constant 0 : i32
    %c0_i32_1 = arith.constant 0 : i32
    return %c0_i32, %c0_i32_0 : i32, i32
  }
  func.func @transform_7(%arg0: i32) -> (i32, i32) {
    %c0_i32 = arith.constant 0 : i32
    %c0_i32_0 = arith.constant 0 : i32
    %c0_i32_1 = arith.constant 0 : i32
    return %c0_i32, %c0_i32_0 : i32, i32
  }
  func.func @transform_8(%arg0: i32) -> (i32, i32) {
    %c0_i32 = arith.constant 0 : i32
    %c0_i32_0 = arith.constant 0 : i32
    %c0_i32_1 = arith.constant 0 : i32
    return %c0_i32, %c0_i32_0 : i32, i32
  }
  func.func @transform_9(%arg0: i32) -> (i32, i32) {
    %c0_i32 = arith.constant 0 : i32
    %c0_i32_0 = arith.constant 0 : i32
    %c0_i32_1 = arith.constant 0 : i32
    return %c0_i32, %c0_i32_0 : i32, i32
  }
  func.func @transform_10(%arg0: i32) -> (i32, i32) {
    %c0_i32 = arith.constant 0 : i32
    %c0_i32_0 = arith.constant 0 : i32
    return %arg0, %c0_i32 : i32, i32
  }
  func.func @transform_11(%arg0: i32) -> (i32, i32) {
    %c0_i32 = arith.constant 0 : i32
    %c0_i32_0 = arith.constant 0 : i32
    return %arg0, %c0_i32 : i32, i32
  }
}

module attributes {stable_mosaic.version = 14 : i64} {
  func.func @_edge_body(%arg0: i32, %arg1: memref<512x256xf32, #tpu.memory_space<vmem>>, %arg2: memref<512x384xf32, #tpu.memory_space<vmem>>, %arg3: memref<512x16xf32, #tpu.memory_space<vmem>>, %arg4: memref<512x4xf32, #tpu.memory_space<vmem>>, %arg5: memref<16x128xf32, #tpu.memory_space<vmem>>, %arg6: memref<16x128xf32, #tpu.memory_space<vmem>>, %arg7: memref<128x128xf32, #tpu.memory_space<vmem>>, %arg8: memref<128x16xf32, #tpu.memory_space<vmem>>, %arg9: memref<1x128xf32, #tpu.memory_space<vmem>>, %arg10: memref<1x128xf32, #tpu.memory_space<vmem>>, %arg11: memref<1x128xf32, #tpu.memory_space<vmem>>, %arg12: memref<1x128xf32, #tpu.memory_space<vmem>>, %arg13: memref<1x128xf32, #tpu.memory_space<vmem>>, %arg14: memref<1x128xf32, #tpu.memory_space<vmem>>, %arg15: memref<1x128xf32, #tpu.memory_space<vmem>>, %arg16: memref<1x16xf32, #tpu.memory_space<vmem>>, %arg17: memref<512x128xf32, #tpu.memory_space<vmem>>) attributes {dimension_semantics = [#tpu.dimension_semantics<arbitrary>], iteration_bounds = array<i64: 625>, scalar_prefetch = 0 : i64, scratch_operands = 0 : i64, tpu.core_type = #tpu.core_type<tc>, window_params = [{transform_indices = @transform_0, window_bounds = array<i64: 512, 256>}, {transform_indices = @transform_1, window_bounds = array<i64: 512, 384>}, {transform_indices = @transform_2, window_bounds = array<i64: 512, 16>}, {transform_indices = @transform_3, window_bounds = array<i64: 512, 4>}, {pipeline_mode = #tpu.pipeline_mode<synchronous>, transform_indices = @transform_4, window_bounds = array<i64: 16, 128>}, {pipeline_mode = #tpu.pipeline_mode<synchronous>, transform_indices = @transform_5, window_bounds = array<i64: 16, 128>}, {pipeline_mode = #tpu.pipeline_mode<synchronous>, transform_indices = @transform_6, window_bounds = array<i64: 128, 128>}, {pipeline_mode = #tpu.pipeline_mode<synchronous>, transform_indices = @transform_7, window_bounds = array<i64: 128, 16>}, {pipeline_mode = #tpu.pipeline_mode<synchronous>, transform_indices = @transform_8, window_bounds = array<i64: 1, 128>}, {pipeline_mode = #tpu.pipeline_mode<synchronous>, transform_indices = @transform_9, window_bounds = array<i64: 1, 128>}, {pipeline_mode = #tpu.pipeline_mode<synchronous>, transform_indices = @transform_10, window_bounds = array<i64: 1, 128>}, {pipeline_mode = #tpu.pipeline_mode<synchronous>, transform_indices = @transform_11, window_bounds = array<i64: 1, 128>}, {pipeline_mode = #tpu.pipeline_mode<synchronous>, transform_indices = @transform_12, window_bounds = array<i64: 1, 128>}, {pipeline_mode = #tpu.pipeline_mode<synchronous>, transform_indices = @transform_13, window_bounds = array<i64: 1, 128>}, {pipeline_mode = #tpu.pipeline_mode<synchronous>, transform_indices = @transform_14, window_bounds = array<i64: 1, 128>}, {pipeline_mode = #tpu.pipeline_mode<synchronous>, transform_indices = @transform_15, window_bounds = array<i64: 1, 16>}, {transform_indices = @transform_16, window_bounds = array<i64: 512, 128>}]} {
    %get3A = arith.constant 0 : index
    %get3A_0 = arith.constant 0 : index
    %get3A_1 = vector.load %arg1[%get3A, %get3A_0] : memref<512x256xf32, #tpu.memory_space<vmem>>, vector<512x256xf32>
    %get3A_2 = arith.constant 0 : index
    %get3A_3 = arith.constant 0 : index
    %get3A_4 = vector.load %arg2[%get3A_2, %get3A_3] : memref<512x384xf32, #tpu.memory_space<vmem>>, vector<512x384xf32>
    %get3A_5 = arith.constant 0 : index
    %get3A_6 = arith.constant 0 : index
    %get3A_7 = vector.load %arg3[%get3A_5, %get3A_6] : memref<512x16xf32, #tpu.memory_space<vmem>>, vector<512x16xf32>
    %get3A_8 = arith.constant 0 : index
    %get3A_9 = arith.constant 0 : index
    %get3A_10 = vector.load %arg4[%get3A_8, %get3A_9] : memref<512x4xf32, #tpu.memory_space<vmem>>, vector<512x4xf32>
    %get3A_11 = arith.constant 0 : index
    %get3A_12 = arith.constant 0 : index
    %get3A_13 = vector.load %arg5[%get3A_11, %get3A_12] : memref<16x128xf32, #tpu.memory_space<vmem>>, vector<16x128xf32>
    %dot_general3A = arith.constant dense<0.000000e+00> : vector<512x128xf32>
    %dot_general3A_14 = tpu.matmul %get3A_7, %get3A_13, %dot_general3A {dimension_numbers = #tpu.dot_dimension_numbers<[1], [0], [0], [1], [0, 0, 1, 1], [], []>, transpose_lhs_hint = false} : vector<512x16xf32>, vector<16x128xf32>, vector<512x128xf32> -> vector<512x128xf32>
    %slice3A = vector.extract_strided_slice %get3A_1 {offsets = [0, 0], sizes = [512, 128], strides = [1, 1]} : vector<512x256xf32> to vector<512x128xf32>
    %add3A = arith.addf %dot_general3A_14, %slice3A : vector<512x128xf32>
    %slice3A_15 = vector.extract_strided_slice %get3A_4 {offsets = [0, 0], sizes = [512, 128], strides = [1, 1]} : vector<512x384xf32> to vector<512x128xf32>
    %add3A_16 = arith.addf %add3A, %slice3A_15 : vector<512x128xf32>
    %get3A_17 = arith.constant 0 : index
    %get3A_18 = arith.constant 0 : index
    %get3A_19 = vector.load %arg9[%get3A_17, %get3A_18] : memref<1x128xf32, #tpu.memory_space<vmem>>, vector<1x128xf32>
    %add3A_20 = vector.broadcast %get3A_19 : vector<1x128xf32> to vector<512x128xf32>
    %add3A_21 = arith.addf %add3A_16, %add3A_20 : vector<512x128xf32>
    %get3A_22 = arith.constant 0 : index
    %get3A_23 = arith.constant 0 : index
    %get3A_24 = vector.load %arg11[%get3A_22, %get3A_23] : memref<1x128xf32, #tpu.memory_space<vmem>>, vector<1x128xf32>
    %get3A_25 = arith.constant 0 : index
    %get3A_26 = arith.constant 0 : index
    %get3A_27 = vector.load %arg12[%get3A_25, %get3A_26] : memref<1x128xf32, #tpu.memory_space<vmem>>, vector<1x128xf32>
    %reduce_sum3A = arith.constant dense<0.000000e+00> : vector<512xf32>
    %reduce_sum3A_28 = vector.multi_reduction <add>, %add3A_21, %reduce_sum3A [1] : vector<512x128xf32> to vector<512xf32>
    %broadcast_in_dim3A = vector.shape_cast %reduce_sum3A_28 : vector<512xf32> to vector<512x1xf32>
    %div3A = arith.constant 1.280000e+02 : f32
    %div3A_29 = vector.broadcast %div3A : f32 to vector<512x1xf32>
    %div3A_30 = arith.divf %broadcast_in_dim3A, %div3A_29 : vector<512x1xf32>
    %sub3A = vector.broadcast %div3A_30 : vector<512x1xf32> to vector<512x128xf32>
    %sub3A_31 = arith.subf %add3A_21, %sub3A : vector<512x128xf32>
    %sub3A_32 = vector.broadcast %div3A_30 : vector<512x1xf32> to vector<512x128xf32>
    %sub3A_33 = arith.subf %add3A_21, %sub3A_32 : vector<512x128xf32>
    %mul3A = arith.mulf %sub3A_31, %sub3A_33 : vector<512x128xf32>
    %reduce_sum3A_34 = arith.constant dense<0.000000e+00> : vector<512xf32>
    %reduce_sum3A_35 = vector.multi_reduction <add>, %mul3A, %reduce_sum3A_34 [1] : vector<512x128xf32> to vector<512xf32>
    %broadcast_in_dim3A_36 = vector.shape_cast %reduce_sum3A_35 : vector<512xf32> to vector<512x1xf32>
    %div3A_37 = arith.constant 1.280000e+02 : f32
    %div3A_38 = vector.broadcast %div3A_37 : f32 to vector<512x1xf32>
    %div3A_39 = arith.divf %broadcast_in_dim3A_36, %div3A_38 : vector<512x1xf32>
    %sub3A_40 = vector.broadcast %div3A_30 : vector<512x1xf32> to vector<512x128xf32>
    %sub3A_41 = arith.subf %add3A_21, %sub3A_40 : vector<512x128xf32>
    %add3A_42 = arith.constant 9.99999974E-6 : f32
    %add3A_43 = vector.broadcast %add3A_42 : f32 to vector<512x1xf32>
    %add3A_44 = arith.addf %div3A_39, %add3A_43 : vector<512x1xf32>
    %sqrt3A = math.sqrt %add3A_44 : vector<512x1xf32>
    %div3A_45 = vector.broadcast %sqrt3A : vector<512x1xf32> to vector<512x128xf32>
    %div3A_46 = arith.divf %sub3A_41, %div3A_45 : vector<512x128xf32>
    %mul3A_47 = vector.broadcast %get3A_24 : vector<1x128xf32> to vector<512x128xf32>
    %mul3A_48 = arith.mulf %div3A_46, %mul3A_47 : vector<512x128xf32>
    %add3A_49 = vector.broadcast %get3A_27 : vector<1x128xf32> to vector<512x128xf32>
    %add3A_50 = arith.addf %mul3A_48, %add3A_49 : vector<512x128xf32>
    %max3A = arith.constant 0.000000e+00 : f32
    %max3A_51 = vector.broadcast %max3A : f32 to vector<512x128xf32>
    %max3A_52 = arith.maximumf %add3A_50, %max3A_51 : vector<512x128xf32>
    %get3A_53 = arith.constant 0 : index
    %get3A_54 = arith.constant 0 : index
    %get3A_55 = vector.load %arg7[%get3A_53, %get3A_54] : memref<128x128xf32, #tpu.memory_space<vmem>>, vector<128x128xf32>
    %dot_general3A_56 = arith.constant dense<0.000000e+00> : vector<512x128xf32>
    %dot_general3A_57 = tpu.matmul %max3A_52, %get3A_55, %dot_general3A_56 {dimension_numbers = #tpu.dot_dimension_numbers<[1], [0], [0], [1], [0, 0, 1, 1], [], []>, transpose_lhs_hint = false} : vector<512x128xf32>, vector<128x128xf32>, vector<512x128xf32> -> vector<512x128xf32>
    %get3A_58 = arith.constant 0 : index
    %get3A_59 = arith.constant 0 : index
    %get3A_60 = vector.load %arg15[%get3A_58, %get3A_59] : memref<1x128xf32, #tpu.memory_space<vmem>>, vector<1x128xf32>
    %add3A_61 = vector.broadcast %get3A_60 : vector<1x128xf32> to vector<512x128xf32>
    %add3A_62 = arith.addf %dot_general3A_57, %add3A_61 : vector<512x128xf32>
    %get3A_63 = arith.constant 0 : index
    %get3A_64 = arith.constant 0 : index
    %get3A_65 = vector.load %arg6[%get3A_63, %get3A_64] : memref<16x128xf32, #tpu.memory_space<vmem>>, vector<16x128xf32>
    %dot_general3A_66 = arith.constant dense<0.000000e+00> : vector<512x128xf32>
    %dot_general3A_67 = tpu.matmul %get3A_7, %get3A_65, %dot_general3A_66 {dimension_numbers = #tpu.dot_dimension_numbers<[1], [0], [0], [1], [0, 0, 1, 1], [], []>, transpose_lhs_hint = false} : vector<512x16xf32>, vector<16x128xf32>, vector<512x128xf32> -> vector<512x128xf32>
    %slice3A_68 = vector.extract_strided_slice %get3A_1 {offsets = [0, 128], sizes = [512, 128], strides = [1, 1]} : vector<512x256xf32> to vector<512x128xf32>
    %add3A_69 = arith.addf %dot_general3A_67, %slice3A_68 : vector<512x128xf32>
    %slice3A_70 = vector.extract_strided_slice %get3A_4 {offsets = [0, 128], sizes = [512, 128], strides = [1, 1]} : vector<512x384xf32> to vector<512x128xf32>
    %add3A_71 = arith.addf %add3A_69, %slice3A_70 : vector<512x128xf32>
    %get3A_72 = arith.constant 0 : index
    %get3A_73 = arith.constant 0 : index
    %get3A_74 = vector.load %arg10[%get3A_72, %get3A_73] : memref<1x128xf32, #tpu.memory_space<vmem>>, vector<1x128xf32>
    %add3A_75 = vector.broadcast %get3A_74 : vector<1x128xf32> to vector<512x128xf32>
    %add3A_76 = arith.addf %add3A_71, %add3A_75 : vector<512x128xf32>
    %get3A_77 = arith.constant 0 : index
    %get3A_78 = arith.constant 0 : index
    %get3A_79 = vector.load %arg13[%get3A_77, %get3A_78] : memref<1x128xf32, #tpu.memory_space<vmem>>, vector<1x128xf32>
    %get3A_80 = arith.constant 0 : index
    %get3A_81 = arith.constant 0 : index
    %get3A_82 = vector.load %arg14[%get3A_80, %get3A_81] : memref<1x128xf32, #tpu.memory_space<vmem>>, vector<1x128xf32>
    %reduce_sum3A_83 = arith.constant dense<0.000000e+00> : vector<512xf32>
    %reduce_sum3A_84 = vector.multi_reduction <add>, %add3A_76, %reduce_sum3A_83 [1] : vector<512x128xf32> to vector<512xf32>
    %broadcast_in_dim3A_85 = vector.shape_cast %reduce_sum3A_84 : vector<512xf32> to vector<512x1xf32>
    %div3A_86 = arith.constant 1.280000e+02 : f32
    %div3A_87 = vector.broadcast %div3A_86 : f32 to vector<512x1xf32>
    %div3A_88 = arith.divf %broadcast_in_dim3A_85, %div3A_87 : vector<512x1xf32>
    %sub3A_89 = vector.broadcast %div3A_88 : vector<512x1xf32> to vector<512x128xf32>
    %sub3A_90 = arith.subf %add3A_76, %sub3A_89 : vector<512x128xf32>
    %sub3A_91 = vector.broadcast %div3A_88 : vector<512x1xf32> to vector<512x128xf32>
    %sub3A_92 = arith.subf %add3A_76, %sub3A_91 : vector<512x128xf32>
    %mul3A_93 = arith.mulf %sub3A_90, %sub3A_92 : vector<512x128xf32>
    %reduce_sum3A_94 = arith.constant dense<0.000000e+00> : vector<512xf32>
    %reduce_sum3A_95 = vector.multi_reduction <add>, %mul3A_93, %reduce_sum3A_94 [1] : vector<512x128xf32> to vector<512xf32>
    %broadcast_in_dim3A_96 = vector.shape_cast %reduce_sum3A_95 : vector<512xf32> to vector<512x1xf32>
    %div3A_97 = arith.constant 1.280000e+02 : f32
    %div3A_98 = vector.broadcast %div3A_97 : f32 to vector<512x1xf32>
    %div3A_99 = arith.divf %broadcast_in_dim3A_96, %div3A_98 : vector<512x1xf32>
    %sub3A_100 = vector.broadcast %div3A_88 : vector<512x1xf32> to vector<512x128xf32>
    %sub3A_101 = arith.subf %add3A_76, %sub3A_100 : vector<512x128xf32>
    %add3A_102 = arith.constant 9.99999974E-6 : f32
    %add3A_103 = vector.broadcast %add3A_102 : f32 to vector<512x1xf32>
    %add3A_104 = arith.addf %div3A_99, %add3A_103 : vector<512x1xf32>
    %sqrt3A_105 = math.sqrt %add3A_104 : vector<512x1xf32>
    %div3A_106 = vector.broadcast %sqrt3A_105 : vector<512x1xf32> to vector<512x128xf32>
    %div3A_107 = arith.divf %sub3A_101, %div3A_106 : vector<512x128xf32>
    %mul3A_108 = vector.broadcast %get3A_79 : vector<1x128xf32> to vector<512x128xf32>
    %mul3A_109 = arith.mulf %div3A_107, %mul3A_108 : vector<512x128xf32>
    %add3A_110 = vector.broadcast %get3A_82 : vector<1x128xf32> to vector<512x128xf32>
    %add3A_111 = arith.addf %mul3A_109, %add3A_110 : vector<512x128xf32>
    %max3A_112 = arith.constant 0.000000e+00 : f32
    %max3A_113 = vector.broadcast %max3A_112 : f32 to vector<512x128xf32>
    %max3A_114 = arith.maximumf %add3A_111, %max3A_113 : vector<512x128xf32>
    %get3A_115 = arith.constant 0 : index
    %get3A_116 = arith.constant 0 : index
    %get3A_117 = vector.load %arg8[%get3A_115, %get3A_116] : memref<128x16xf32, #tpu.memory_space<vmem>>, vector<128x16xf32>
    %dot_general3A_118 = arith.constant dense<0.000000e+00> : vector<512x16xf32>
    %dot_general3A_119 = tpu.matmul %max3A_114, %get3A_117, %dot_general3A_118 {dimension_numbers = #tpu.dot_dimension_numbers<[1], [0], [0], [1], [0, 0, 1, 1], [], []>, transpose_lhs_hint = false} : vector<512x128xf32>, vector<128x16xf32>, vector<512x16xf32> -> vector<512x16xf32>
    %get3A_120 = arith.constant 0 : index
    %get3A_121 = arith.constant 0 : index
    %get3A_122 = vector.load %arg16[%get3A_120, %get3A_121] : memref<1x16xf32, #tpu.memory_space<vmem>>, vector<1x16xf32>
    %add3A_123 = vector.broadcast %get3A_122 : vector<1x16xf32> to vector<512x16xf32>
    %add3A_124 = arith.addf %dot_general3A_119, %add3A_123 : vector<512x16xf32>
    %slice3A_125 = vector.extract_strided_slice %get3A_4 {offsets = [0, 256], sizes = [512, 128], strides = [1, 1]} : vector<512x384xf32> to vector<512x128xf32>
    %iota3A = tpu.iota {dimensions = array<i32: 0>} : vector<128x16xi32>
    %iota3A_126 = tpu.iota {dimensions = array<i32: 1>} : vector<128x16xi32>
    %jit3A = arith.constant 8 : i32
    %div3A_127 = vector.broadcast %jit3A : i32 to vector<128x16xi32>
    %div3A_128 = arith.divsi %iota3A, %div3A_127 : vector<128x16xi32>
    %sign3A = arith.constant 0 : i32
    %sign3A_129 = vector.broadcast %sign3A : i32 to vector<128x16xi32>
    %sign3A_130 = arith.cmpi sgt, %iota3A, %sign3A_129 : vector<128x16xi32>
    %sign3A_131 = arith.extui %sign3A_130 : vector<128x16xi1> to vector<128x16xi32>
    %sign3A_132 = arith.constant 0 : i32
    %sign3A_133 = vector.broadcast %sign3A_132 : i32 to vector<128x16xi32>
    %sign3A_134 = arith.cmpi slt, %iota3A, %sign3A_133 : vector<128x16xi32>
    %sign3A_135 = arith.extui %sign3A_134 : vector<128x16xi1> to vector<128x16xi32>
    %sign3A_136 = arith.subi %sign3A_131, %sign3A_135 : vector<128x16xi32>
    %sign3A_137 = arith.constant 0 : i32
    %sign3A_138 = arith.cmpi sgt, %jit3A, %sign3A_137 : i32
    %sign3A_139 = arith.extui %sign3A_138 : i1 to i32
    %sign3A_140 = arith.constant 0 : i32
    %sign3A_141 = arith.cmpi slt, %jit3A, %sign3A_140 : i32
    %sign3A_142 = arith.extui %sign3A_141 : i1 to i32
    %sign3A_143 = arith.subi %sign3A_139, %sign3A_142 : i32
    %ne3A = vector.broadcast %sign3A_143 : i32 to vector<128x16xi32>
    %ne3A_144 = arith.cmpi ne, %sign3A_136, %ne3A : vector<128x16xi32>
    %rem3A = vector.broadcast %jit3A : i32 to vector<128x16xi32>
    %rem3A_145 = arith.remsi %iota3A, %rem3A : vector<128x16xi32>
    %ne3A_146 = arith.constant 0 : i32
    %ne3A_147 = vector.broadcast %ne3A_146 : i32 to vector<128x16xi32>
    %ne3A_148 = arith.cmpi ne, %rem3A_145, %ne3A_147 : vector<128x16xi32>
    %and3A = arith.andi %ne3A_144, %ne3A_148 : vector<128x16xi1>
    %sub3A_149 = arith.constant 1 : i32
    %sub3A_150 = vector.broadcast %sub3A_149 : i32 to vector<128x16xi32>
    %sub3A_151 = arith.subi %div3A_128, %sub3A_150 : vector<128x16xi32>
    %select_n3A = arith.select %and3A, %sub3A_151, %div3A_128 : vector<128x16xi1>, vector<128x16xi32>
    %eq3A = arith.cmpi eq, %select_n3A, %iota3A_126 : vector<128x16xi32>
    %jit3A_152 = arith.constant 1.000000e+00 : f32
    %jit3A_153 = arith.constant 0.000000e+00 : f32
    %broadcast_in_dim3A_154 = vector.broadcast %jit3A_152 : f32 to vector<128x16xf32>
    %broadcast_in_dim3A_155 = vector.broadcast %jit3A_153 : f32 to vector<128x16xf32>
    %select_n3A_156 = arith.select %eq3A, %broadcast_in_dim3A_154, %broadcast_in_dim3A_155 : vector<128x16xi1>, vector<128x16xf32>
    %mul3A_157 = arith.mulf %slice3A_125, %add3A_62 : vector<512x128xf32>
    %dot_general3A_158 = arith.constant dense<0.000000e+00> : vector<512x16xf32>
    %dot_general3A_159 = tpu.matmul %mul3A_157, %select_n3A_156, %dot_general3A_158 {dimension_numbers = #tpu.dot_dimension_numbers<[1], [0], [0], [1], [0, 0, 1, 1], [], []>, transpose_lhs_hint = false} : vector<512x128xf32>, vector<128x16xf32>, vector<512x16xf32> -> vector<512x16xf32>
    %mul3A_160 = arith.constant 0.353553385 : f32
    %mul3A_161 = vector.broadcast %mul3A_160 : f32 to vector<512x16xf32>
    %mul3A_162 = arith.mulf %dot_general3A_159, %mul3A_161 : vector<512x16xf32>
    %exp3A = math.exp %mul3A_162 : vector<512x16xf32>
    %mul3A_163 = arith.mulf %exp3A, %add3A_124 : vector<512x16xf32>
    %broadcast_in_dim3A_164 = arith.constant 0.000000e+00 : f32
    %broadcast_in_dim3A_165 = vector.broadcast %broadcast_in_dim3A_164 : f32 to vector<512x64xf32>
    %slice3A_166 = vector.extract_strided_slice %get3A_10 {offsets = [0, 0], sizes = [512, 1], strides = [1, 1]} : vector<512x4xf32> to vector<512x1xf32>
    %mul3A_167 = vector.broadcast %slice3A_166 : vector<512x1xf32> to vector<512x16xf32>
    %mul3A_168 = arith.mulf %mul3A_163, %mul3A_167 : vector<512x16xf32>
    %slice3A_169 = vector.extract_strided_slice %get3A_10 {offsets = [0, 1], sizes = [512, 1], strides = [1, 1]} : vector<512x4xf32> to vector<512x1xf32>
    %mul3A_170 = vector.broadcast %slice3A_169 : vector<512x1xf32> to vector<512x16xf32>
    %mul3A_171 = arith.mulf %mul3A_163, %mul3A_170 : vector<512x16xf32>
    %slice3A_172 = vector.extract_strided_slice %get3A_10 {offsets = [0, 2], sizes = [512, 1], strides = [1, 1]} : vector<512x4xf32> to vector<512x1xf32>
    %mul3A_173 = vector.broadcast %slice3A_172 : vector<512x1xf32> to vector<512x16xf32>
    %mul3A_174 = arith.mulf %mul3A_163, %mul3A_173 : vector<512x16xf32>
    %concatenate3A = tpu.concatenate %exp3A, %mul3A_168, %mul3A_171, %mul3A_174, %broadcast_in_dim3A_165 in 1 : vector<512x16xf32>, vector<512x16xf32>, vector<512x16xf32>, vector<512x16xf32>, vector<512x64xf32> -> vector<512x128xf32>
    %swap3A = arith.constant 0 : index
    %swap3A_175 = arith.constant 0 : index
    %swap3A_176 = vector.load %arg17[%swap3A, %swap3A_175] : memref<512x128xf32, #tpu.memory_space<vmem>>, vector<512x128xf32>
    tpu.vector_store %arg17[%swap3A, %swap3A_175], %concatenate3A {strides = array<i32>} : memref<512x128xf32, #tpu.memory_space<vmem>>, vector<512x128xf32>,
    return
  }
  func.func @transform_0(%arg0: i32) -> (i32, i32) {
    %c0_i32 = arith.constant 0 : i32
    %c0_i32_0 = arith.constant 0 : i32
    return %arg0, %c0_i32 : i32, i32
  }
  func.func @transform_1(%arg0: i32) -> (i32, i32) {
    %c0_i32 = arith.constant 0 : i32
    %c0_i32_0 = arith.constant 0 : i32
    return %arg0, %c0_i32 : i32, i32
  }
  func.func @transform_2(%arg0: i32) -> (i32, i32) {
    %c0_i32 = arith.constant 0 : i32
    %c0_i32_0 = arith.constant 0 : i32
    return %arg0, %c0_i32 : i32, i32
  }
  func.func @transform_3(%arg0: i32) -> (i32, i32) {
    %c0_i32 = arith.constant 0 : i32
    %c0_i32_0 = arith.constant 0 : i32
    return %arg0, %c0_i32 : i32, i32
  }
  func.func @transform_4(%arg0: i32) -> (i32, i32) {
    %c0_i32 = arith.constant 0 : i32
    %c0_i32_0 = arith.constant 0 : i32
    %c0_i32_1 = arith.constant 0 : i32
    return %c0_i32, %c0_i32_0 : i32, i32
  }
  func.func @transform_5(%arg0: i32) -> (i32, i32) {
    %c0_i32 = arith.constant 0 : i32
    %c0_i32_0 = arith.constant 0 : i32
    %c0_i32_1 = arith.constant 0 : i32
    return %c0_i32, %c0_i32_0 : i32, i32
  }
  func.func @transform_6(%arg0: i32) -> (i32, i32) {
    %c0_i32 = arith.constant 0 : i32
    %c0_i32_0 = arith.constant 0 : i32
    %c0_i32_1 = arith.constant 0 : i32
    return %c0_i32, %c0_i32_0 : i32, i32
  }
  func.func @transform_7(%arg0: i32) -> (i32, i32) {
    %c0_i32 = arith.constant 0 : i32
    %c0_i32_0 = arith.constant 0 : i32
    %c0_i32_1 = arith.constant 0 : i32
    return %c0_i32, %c0_i32_0 : i32, i32
  }
  func.func @transform_8(%arg0: i32) -> (i32, i32) {
    %c0_i32 = arith.constant 0 : i32
    %c0_i32_0 = arith.constant 0 : i32
    %c0_i32_1 = arith.constant 0 : i32
    return %c0_i32, %c0_i32_0 : i32, i32
  }
  func.func @transform_9(%arg0: i32) -> (i32, i32) {
    %c0_i32 = arith.constant 0 : i32
    %c0_i32_0 = arith.constant 0 : i32
    %c0_i32_1 = arith.constant 0 : i32
    return %c0_i32, %c0_i32_0 : i32, i32
  }
  func.func @transform_10(%arg0: i32) -> (i32, i32) {
    %c0_i32 = arith.constant 0 : i32
    %c0_i32_0 = arith.constant 0 : i32
    %c0_i32_1 = arith.constant 0 : i32
    return %c0_i32, %c0_i32_0 : i32, i32
  }
  func.func @transform_11(%arg0: i32) -> (i32, i32) {
    %c0_i32 = arith.constant 0 : i32
    %c0_i32_0 = arith.constant 0 : i32
    %c0_i32_1 = arith.constant 0 : i32
    return %c0_i32, %c0_i32_0 : i32, i32
  }
  func.func @transform_12(%arg0: i32) -> (i32, i32) {
    %c0_i32 = arith.constant 0 : i32
    %c0_i32_0 = arith.constant 0 : i32
    %c0_i32_1 = arith.constant 0 : i32
    return %c0_i32, %c0_i32_0 : i32, i32
  }
  func.func @transform_13(%arg0: i32) -> (i32, i32) {
    %c0_i32 = arith.constant 0 : i32
    %c0_i32_0 = arith.constant 0 : i32
    %c0_i32_1 = arith.constant 0 : i32
    return %c0_i32, %c0_i32_0 : i32, i32
  }
  func.func @transform_14(%arg0: i32) -> (i32, i32) {
    %c0_i32 = arith.constant 0 : i32
    %c0_i32_0 = arith.constant 0 : i32
    %c0_i32_1 = arith.constant 0 : i32
    return %c0_i32, %c0_i32_0 : i32, i32
  }
  func.func @transform_15(%arg0: i32) -> (i32, i32) {
    %c0_i32 = arith.constant 0 : i32
    %c0_i32_0 = arith.constant 0 : i32
    %c0_i32_1 = arith.constant 0 : i32
    return %c0_i32, %c0_i32_0 : i32, i32
  }
  func.func @transform_16(%arg0: i32) -> (i32, i32) {
    %c0_i32 = arith.constant 0 : i32
    %c0_i32_0 = arith.constant 0 : i32
    return %arg0, %c0_i32 : i32, i32
  }
}

module attributes {stable_mosaic.version = 14 : i64} {
  func.func @_final_body(%arg0: i32, %arg1: memref<1000x128xf32, #tpu.memory_space<vmem>>, %arg2: memref<1000x128xf32, #tpu.memory_space<vmem>>, %arg3: memref<1000x4xf32, #tpu.memory_space<vmem>>) attributes {dimension_semantics = [#tpu.dimension_semantics<arbitrary>], iteration_bounds = array<i64: 10>, scalar_prefetch = 0 : i64, scratch_operands = 0 : i64, tpu.core_type = #tpu.core_type<tc>, window_params = [{transform_indices = @transform_0, window_bounds = array<i64: 1000, 128>}, {transform_indices = @transform_1, window_bounds = array<i64: 1000, 128>}, {transform_indices = @transform_2, window_bounds = array<i64: 1000, 4>}]} {
    %get3A = arith.constant 0 : index
    %get3A_0 = arith.constant 0 : index
    %get3A_1 = vector.load %arg1[%get3A, %get3A_0] : memref<1000x128xf32, #tpu.memory_space<vmem>>, vector<1000x128xf32>
    %get3A_2 = arith.constant 0 : index
    %get3A_3 = arith.constant 0 : index
    %get3A_4 = vector.load %arg2[%get3A_2, %get3A_3] : memref<1000x128xf32, #tpu.memory_space<vmem>>, vector<1000x128xf32>
    %add3A = arith.addf %get3A_1, %get3A_4 : vector<1000x128xf32>
    %slice3A = vector.extract_strided_slice %add3A {offsets = [0, 0], sizes = [1000, 16], strides = [1, 1]} : vector<1000x128xf32> to vector<1000x16xf32>
    %add3A_5 = arith.constant 1.000000e-16 : f32
    %add3A_6 = vector.broadcast %add3A_5 : f32 to vector<1000x16xf32>
    %add3A_7 = arith.addf %slice3A, %add3A_6 : vector<1000x16xf32>
    %div3A = arith.constant 1.000000e+00 : f32
    %div3A_8 = vector.broadcast %div3A : f32 to vector<1000x16xf32>
    %div3A_9 = arith.divf %div3A_8, %add3A_7 : vector<1000x16xf32>
    %slice3A_10 = vector.extract_strided_slice %add3A {offsets = [0, 16], sizes = [1000, 16], strides = [1, 1]} : vector<1000x128xf32> to vector<1000x16xf32>
    %mul3A = arith.mulf %slice3A_10, %div3A_9 : vector<1000x16xf32>
    %reduce_sum3A = arith.constant dense<0.000000e+00> : vector<1000xf32>
    %reduce_sum3A_11 = vector.multi_reduction <add>, %mul3A, %reduce_sum3A [1] : vector<1000x16xf32> to vector<1000xf32>
    %broadcast_in_dim3A = vector.shape_cast %reduce_sum3A_11 : vector<1000xf32> to vector<1000x1xf32>
    %slice3A_12 = vector.extract_strided_slice %add3A {offsets = [0, 32], sizes = [1000, 16], strides = [1, 1]} : vector<1000x128xf32> to vector<1000x16xf32>
    %mul3A_13 = arith.mulf %slice3A_12, %div3A_9 : vector<1000x16xf32>
    %reduce_sum3A_14 = arith.constant dense<0.000000e+00> : vector<1000xf32>
    %reduce_sum3A_15 = vector.multi_reduction <add>, %mul3A_13, %reduce_sum3A_14 [1] : vector<1000x16xf32> to vector<1000xf32>
    %broadcast_in_dim3A_16 = vector.shape_cast %reduce_sum3A_15 : vector<1000xf32> to vector<1000x1xf32>
    %slice3A_17 = vector.extract_strided_slice %add3A {offsets = [0, 48], sizes = [1000, 16], strides = [1, 1]} : vector<1000x128xf32> to vector<1000x16xf32>
    %mul3A_18 = arith.mulf %slice3A_17, %div3A_9 : vector<1000x16xf32>
    %reduce_sum3A_19 = arith.constant dense<0.000000e+00> : vector<1000xf32>
    %reduce_sum3A_20 = vector.multi_reduction <add>, %mul3A_18, %reduce_sum3A_19 [1] : vector<1000x16xf32> to vector<1000xf32>
    %broadcast_in_dim3A_21 = vector.shape_cast %reduce_sum3A_20 : vector<1000xf32> to vector<1000x1xf32>
    %mul3A_22 = arith.constant 0.000000e+00 : f32
    %mul3A_23 = vector.broadcast %mul3A_22 : f32 to vector<1000x1xf32>
    %mul3A_24 = arith.mulf %broadcast_in_dim3A, %mul3A_23 : vector<1000x1xf32>
    %concatenate3A = tpu.concatenate %broadcast_in_dim3A, %broadcast_in_dim3A_16, %broadcast_in_dim3A_21, %mul3A_24 in 1 : vector<1000x1xf32>, vector<1000x1xf32>, vector<1000x1xf32>, vector<1000x1xf32> -> vector<1000x4xf32>
    %mul3A_25 = arith.constant 6.250000e-02 : f32
    %mul3A_26 = vector.broadcast %mul3A_25 : f32 to vector<1000x4xf32>
    %mul3A_27 = arith.mulf %concatenate3A, %mul3A_26 : vector<1000x4xf32>
    %swap3A = arith.constant 0 : index
    %swap3A_28 = arith.constant 0 : index
    %swap3A_29 = vector.load %arg3[%swap3A, %swap3A_28] : memref<1000x4xf32, #tpu.memory_space<vmem>>, vector<1000x4xf32>
    tpu.vector_store %arg3[%swap3A, %swap3A_28], %mul3A_27 {strides = array<i32>} : memref<1000x4xf32, #tpu.memory_space<vmem>>, vector<1000x4xf32>,
    return
  }
  func.func @transform_0(%arg0: i32) -> (i32, i32) {
    %c0_i32 = arith.constant 0 : i32
    %c0_i32_0 = arith.constant 0 : i32
    return %arg0, %c0_i32 : i32, i32
  }
  func.func @transform_1(%arg0: i32) -> (i32, i32) {
    %c0_i32 = arith.constant 0 : i32
    %c0_i32_0 = arith.constant 0 : i32
    return %arg0, %c0_i32 : i32, i32
  }
  func.func @transform_2(%arg0: i32) -> (i32, i32) {
    %c0_i32 = arith.constant 0 : i32
    %c0_i32_0 = arith.constant 0 : i32
    return %arg0, %c0_i32 : i32, i32
  }
}

</mosaic_0001>

<sc_bundles>
// kernel: kernel.10.cloned.1.call-start
scs
__scs_entry_jumppad:
0x0: {  	(pc) =	sbr.rel $0x88, $3  }
0x1: {  	(tag) =	ssettag $0x0;
	lr =	simm.s32 $0x1  }
0x2: {  	[smem:$0x3F8A] =	sst lr;
	_ =	strace $0xD0000000  }
0x3: {  	_ = 	snop  }
0x4: {  	_ = 	snop  }
0x5: {  	_ = 	snop  }
0x6: {  	_ = 	snop  }
0x7: {  	_ = 	snop  }
__scs_overlays_trampoline_lowered:
0x8: {  	[smem:$0x3F99] =	sst s0  }
0x9: {  	[smem:$0x3F9A] =	sst s1  }
0xa: {  	[smem:$0x3F9B] =	sst s2  }
0xb: {  	[smem:$0x3F9C] =	sst s3  }
0xc: {  	[smem:$0x3F9D] =	sst s4  }
0xd: {  	[smem:$0x3F9E] =	sst s5  }
0xe: {  	[smem:$0x3F9F] =	sst s6  }
0xf: {  	[smem:$0x3FA0] =	sst s7  }
0x10: {  	[smem:$0x3FA1] =	sst s8  }
0x11: {  	[smem:$0x3FA2] =	sst s9;
	s0 =	simm.s32 @!p0 $0x0  }
0x12: {  	s1 =	sld [smem:$0x3F88];
	s0 =	simm.s32 @p0 $0x1  }
0x13: {  	[smem:$0x3FA3] =	sst s0;
	s0 =	simm.s32 @!p1 $0x0  }
0x14: {  	s2 =	sld [smem:$0x3F87];
	s0 =	simm.s32 @p1 $0x1  }
0x15: {  	[smem:$0x3FA4] =	sst s0;
	s0 =	simm.s32 @!p2 $0x0  }
0x16: {  	s3 =	sld [smem:$0x3FDB];
	s0 =	simm.s32 @p2 $0x1  }
0x17: {  	s4 =	simm.s32 $0x1BF5;
	[smem:$0x3FA6] =	sst s0  }
0x18: {  	s0 =	sld [smem:$0x3F89];
	_ =	swait.ge [sflag:s4], $0x0  }
0x19: {  	s7 =	sld [smem:$0x3F8A]  }
0x1a: {  	s8 =	sadd.s32 $0xFFFFE003, lr  }
0x1b: {  	s9 =	sadd.s32 $0xFFFFFEF7, lr;
	s5 =	simm.s32 $0xFFFFFFFF;
	p2 =	slt.u32 s8, $0xFFFFF086  }
0x1c: {  	p1 =	slt.u32 s9, $0xF7A;
	s5 =	simm.s32 @!p2 $0x0  }
0x1d: {  	s5 =	simm.s32 @p1 $0x1;
	p0 =	seq.s32 s7, s2  }
0x1e: {  	s7 =	smul.u32 @!p0 $0xF7A, s2;
	p2 =	seq.s32 @!p0 s5, $0x0  }
0x1f: {  	s9 =	smul.u32 $0xF7A, s1;
	s8 =	simm.s32 @!p0 $0x1BF5;
	p2 =	por !p2, p0  }
0x20: {  	[sflag:s8] =	ssyncset.s32 @!p0 $0xFFFFF086;
	s6 =	sadd.s32 @!p0 s3, s7;
	s7 =	simm.s32 @!p0 $0x108  }
0x21: {  	s3 =	sadd.s32 s3, s9;
	s6 =	sadd.s32 @!p0 $0x88, s6;
	s7 =	simm.s32 @p2 $0x1082  }
0x22: {  	[simem:s7], [sflag:s8] =	dma.local @!p0 [hbm:s6], $0xF7A  }
0x23: {  	s9 =	sor.u32 $0xD0000000, s2;
	s6 =	simm.s32 $0x108;
	_ =	swait.ge @!p0 [sflag:s8], $0x0  }
0x24: {  	s3 =	sadd.s32 $0x88, s3;
	s6 =	simm.s32 @!p1 $0x1082;
	[sflag:s4] =	ssyncset.s32 $0xFFFFF086  }
0x25: {  	[simem:s6], [sflag:s4] =	dma.local [hbm:s3], $0xF7A  }
0x26: {  	[smem:$0x3F8A] =	sst s1;
	(tag) =	ssettag s2;
	_ =	strace s9  }
0x27: {  	s1 =	sld [smem:$0x3F9A]  }
0x28: {  	s2 =	sld [smem:$0x3F9B]  }
0x29: {  	s4 =	sld [smem:$0x3F9D]  }
0x2a: {  	p0 =	seq.s32 s5, $0x0;
	s5 =	sld [smem:$0x3F9E]  }
0x2b: {  	s6 =	sld [smem:$0x3F9F]  }
0x2c: {  	s7 =	sld [smem:$0x3FA0]  }
0x2d: {  	s3 =	simm.s32 $0x108;
	s8 =	sld [smem:$0x3FA1]  }
0x2e: {  	s3 =	simm.s32 @!p0 $0x1082;
	s9 =	sld [smem:$0x3FA2]  }
0x2f: {  	lr =	sadd.s32 s0, s3;
	s0 =	sld [smem:$0x3F99]  }
0x30: {  	s3 =	sld [smem:$0x3F9C]  }
0x31: {  	[smem:$0x3FA5] =	sst s10  }
0x32: {  	s10 =	sld [smem:$0x3FA3];
	_ =	sdelay $0x3  }
0x33: {  	p0 =	seq.s32 s10, $0x1;
	s10 =	sld [smem:$0x3FA5];
	_ =	sdelay $0x3  }
0x34: {  	[smem:$0x3FA5] =	sst s10  }
0x35: {  	s10 =	sld [smem:$0x3FA4];
	_ =	sdelay $0x3  }
0x36: {  	p1 =	seq.s32 s10, $0x1;
	s10 =	sld [smem:$0x3FA5];
	_ =	sdelay $0x3  }
0x37: {  	[smem:$0x3FA5] =	sst s10  }
0x38: {  	s10 =	sld [smem:$0x3FA6]  }
0x39: {  	_ = 	snop;
	(pc) =	sbr.ind lr, $3  }
0x3a: {  	_ = 	snop  }
0x3b: {  	_ = 	snop  }
0x3c: {  	p2 =	seq.s32 s10, $0x1;
	s10 =	sld [smem:$0x3FA5]  }
0x3d: {  	_ =	shalt  }
0x3e: {  	_ =	shalt  }
0x3f: {  	_ =	shalt  }
0x40: {  	_ =	shalt  }
0x41: {  	_ =	shalt  }
0x42: {  	_ =	shalt  }
0x43: {  	_ =	shalt  }
0x44: {  	_ =	shalt  }
0x45: {  	_ =	shalt  }
0x46: {  	_ =	shalt  }
0x47: {  	_ =	shalt  }
0x48: {  	_ =	shalt  }
0x49: {  	_ =	shalt  }
0x4a: {  	_ =	shalt  }
0x4b: {  	_ =	shalt  }
0x4c: {  	_ =	shalt  }
0x4d: {  	_ =	shalt  }
0x4e: {  	_ =	shalt  }
0x4f: {  	_ =	shalt  }
0x50: {  	_ =	shalt  }
0x51: {  	_ =	shalt  }
0x52: {  	_ =	shalt  }
0x53: {  	_ =	shalt  }
0x54: {  	_ =	shalt  }
0x55: {  	_ =	shalt  }
0x56: {  	_ =	shalt  }
0x57: {  	_ =	shalt  }
0x58: {  	_ =	shalt  }
0x59: {  	_ =	shalt  }
0x5a: {  	_ =	shalt  }
0x5b: {  	_ =	shalt  }
0x5c: {  	_ =	shalt  }
0x5d: {  	_ =	shalt  }
0x5e: {  	_ =	shalt  }
0x5f: {  	_ =	shalt  }
0x60: {  	_ =	shalt  }
0x61: {  	_ =	shalt  }
0x62: {  	_ =	shalt  }
0x63: {  	_ =	shalt  }
0x64: {  	_ =	shalt  }
0x65: {  	_ =	shalt  }
0x66: {  	_ =	shalt  }
0x67: {  	_ =	shalt  }
0x68: {  	_ =	shalt  }
0x69: {  	_ =	shalt  }
0x6a: {  	_ =	shalt  }
0x6b: {  	_ =	shalt  }
0x6c: {  	_ =	shalt  }
0x6d: {  	_ =	shalt  }
0x6e: {  	_ =	shalt  }
0x6f: {  	_ =	shalt  }
0x70: {  	_ =	shalt  }
0x71: {  	_ =	shalt  }
0x72: {  	_ =	shalt  }
0x73: {  	_ =	shalt  }
0x74: {  	_ =	shalt  }
0x75: {  	_ =	shalt  }
0x76: {  	_ =	shalt  }
0x77: {  	_ =	shalt  }
0x78: {  	_ =	shalt  }
0x79: {  	_ =	shalt  }
0x7a: {  	_ =	shalt  }
0x7b: {  	_ =	shalt  }
0x7c: {  	_ =	shalt  }
0x7d: {  	_ =	shalt  }
0x7e: {  	_ =	shalt  }
0x7f: {  	_ =	shalt  }
0x80: {  	_ =	shalt  }
0x81: {  	_ =	shalt  }
0x82: {  	_ =	shalt  }
0x83: {  	_ =	shalt  }
0x84: {  	_ =	shalt  }
0x85: {  	_ =	shalt  }
0x86: {  	_ =	shalt  }
0x87: {  	_ =	shalt  }
.Lfunc_end0:
.L_simem_size_0:
called_computation.1_lowered:
.L_overlay_start_0:
0x88: {  	s2 =	sld [smem:$0x3FD9]  }
0x89: {  	s3 =	sld [smem:$0x3FFE];
	_ =	sdelay $0x1  }
0x8a: {  	s1 =	srdreg.scid  }
0x8b: {  	s0 =	sand.u32 $0x1, s1  }
0x8c: {  	s16 =	sshll.u32 s0, $0xA;
	s2 =	sadd.s32 s3, s2  }
0x8d: {  	s2 =	sadd.s32 s2, s16  }
0x8e: {  	[smem:$0x3FB1] =	sst s2  }
0x8f: {  	_ = 	snop  }
0x90: {  	(tm) =	ssettm $0x1  }
0x91: {  	s17 =	sld [smem:$0x3FFB];
	_ =	sdelay $0x3  }
0x92: {  	_ =	strace s17  }
0x93: {  	s2 =	sld [smem:$0x3FFC];
	_ =	sdelay $0x3  }
0x94: {  	_ =	strace s2  }
0x95: {  	s2 =	sld [smem:$0x3FFD];
	_ =	sdelay $0x3  }
0x96: {  	_ =	strace s2  }
0x97: {  	_ =	strace $0x8FFFFFFF  }
0x98: {  	s18 =	sld [smem:$0x3FDB];
	_ =	sdelay $0x1  }
0x99: {  	s19 =	simm.s32 $_scs_section_size  }
0x9a: {  	s4 =	simm.s32 $_size__tile_overlayer_lowered;
	s5 =	simm.s32 $_tile_overlayer_lowered  }
0x9b: {  	s22 =	simm.s32 $0x1BFF;
	s21 =	sshll.u32 s5, $0x1;
	s2 =	sadd.s32 s19, s18  }
0x9c: {  	s6 =	simm.s32 $0x0;
	s20 =	sshll.u32 s4, $0x1;
	s4 =	sadd.s32 s21, s2  }
0x9d: {  	[timem:s6], [sflag:s22] =	dma.local [hbm:s4], s20  }
0x9e: {  	_ =	swait.ge [sflag:s22], s20  }
0x9f: {  	s3 =	ssub.s32 $0x0, s20;
	[sflag:s22] =	ssyncset.done $0x0  }
0xa0: {  	[sflag:s22] =	ssyncadd.s32 s3;
	_ =	sdelay $0x1  }
0xa1: {  	s23 =	simm.s32 $0x1B8B  }
0xa2: {  	_ =	swait.ge [sflag:s23], $0x1  }
0xa3: {  	[sflag:s23] =	ssyncset.done $0x0  }
0xa4: {  	s25 =	simm.s32 $0x1B8E;
	s24 =	sld [smem:$0x3FFE];
	[sflag:s23] =	ssyncadd.s32 $0xFFFFFFFF  }
0xa5: {  	s26 =	simm.s32 $execute0_lowered;
	[smem:$0x3FD2] =	sst s25  }
0xa6: {  	s4 =	sshll.u32 s26, $0x1;
	_ =	strace $0x80000049;
	[dreg:$0x1] =	wrdreg $0xFFFFFFFF  }
0xa7: {  	s28 =	simm.s32 $_size_execute0_lowered;
	s2 =	sadd.s32 s2, s4;
	[dreg:$0x0] =	wrdreg $0x0  }
0xa8: {  	s4 =	sshll.u32 s28, $0x1;
	[dreg:$0x2] =	wrdreg s2  }
0xa9: {  	[dreg:$0x3] =	wrdreg s4  }
0xaa: {  	[dreg:$0x4] =	wrdreg $0xC0  }
0xab: {  	_ =	task [dreg:s6], $0x5FFFF  }
0xac: {  	[dreg:$0x1] =	wrdreg $0xFFFFFFFF  }
0xad: {  	[dreg:$0x0] =	wrdreg $0x60  }
0xae: {  	[dreg:$0x2] =	wrdreg s24  }
0xaf: {  	[dreg:$0x3] =	wrdreg $0x68800  }
0xb0: {  	[dreg:$0x4] =	wrdreg $0x9  }
0xb1: {  	_ =	task.clear_ibuf [dreg:s6], $0x5FFFF;
	_ =	strace $0x90000049  }
0xb2: {  	s29 =	simm.s32 $0x9;
	_ =	strace $0x8000004B  }
0xb3: {  	_ =	swait.ge [sflag:s29], $0x1  }
0xb4: {  	[sflag:s29] =	ssyncadd.s32 $0xFFFFFFFF  }
0xb5: {  	_ =	strace $0x9000004B  }
0xb6: {  	_ =	sfence  }
0xb7: {  	s30 =	sld [smem:$0x0];
	_ =	sdelay $0x2  }
0xb8: {  	s31 =	sshll.u32 s1, $0xD;
	s1 =	sshrl.u32 s1, $0x2  }
0xb9: {  	s3 =	sand.u32 $0x4000, s31;
	s1 =	sadd.s32 s1, s30  }
0xba: {  	s0 =	sor.u32 s3, s0;
	s1 =	sshll.u32 s1, $0x11  }
0xbb: {  	s0 =	sor.u32 s1, s0  }
0xbc: {  	s0 =	sadd.s32 $0x8F2B, s0  }
0xbd: {  	[sflag:s0] =	ssyncadd.remote.s32 $0x1  }
0xbe: {  	_ =	sfence.sel $0xFFFF  }
0xbf: {  	[dreg:$0x0] =	wrdreg $0xFFFFFFFF;
	(pc) =	sbr.abs _section_cstart, $3  }
0xc0: {  	[dreg:$0x1] =	wrdreg $0xFFFFFFFF  }
0xc1: {  	_ =	task.clear_ibuf [dreg:s6], $0x2FFFF;
	_ =	strace $0x9FFFFFFF  }
0xc2: {  	(tm) =	ssettm $0x7FFFFFFF  }
0xc3: {  	_ =	shalt  }
tec
execute0_lowered:
.L_overlay_start_1:
0x0: {  	(tag) =	ssettag $0x1  }
0x1: {  	s0 =	stileid.u32  }
0x2: {  	s1 =	srdreg.scid;
	s5 =	rddreg [dreg:$0x0]  }
0x3: {  	s2 =	rddreg [dreg:$0x1];
	s3 =	simm.s32 $0x0;
	s4 =	smul.u32 $0x4E200, s0  }
0x4: {  	s13 =	simm.s32 $0x2880;
	s14 =	simm.s32 $0x1;
	s7 =	smul.u32 $0x4E20, s0  }
0x5: {  	s15 =	simm.s32 $0x80;
	s16 =	simm.s32 $0x50;
	s10 =	smul.u32 $0x14000, s0  }
0x6: {  	s6 =	sand.u32 $0x1, s1;
	s1 =	rddreg [dreg:$0x2];
	s26 =	smul.u32 $0x50000, s0  }
0x7: {  	s19 =	simm.s32 $0x0;
	[smem:$0x7FF] =	sst s3;
	s8 =	smul.u32 $0x2710, s6  }
0x8: {  	s17 =	sshll.u32 s0, $0x6;
	s9 =	smul.u32 $0x140000, s6;
	_ =	strace $0x8000004A  }
0x9: {  	s25 =	ssub.s32 $0x2, s6;
	s31 =	smul.u32 $0x27100, s6;
	s17 =	sor.u32 $0x1C01, s17  }
0xa: {  	s11 =	sadd.s32 s4, s5;
	s28 =	sshrl.u32 s25, $0x1;
	s30 =	sshrl.u32 s26, $0x2  }
0xb: {  	s7 =	sadd.s32 s8, s7;
	s24 =	sadd.s32 s10, s9;
	s29 =	ssub.s32 s25, s28  }
0xc: {  	s4 =	sadd.s32 s30, s2;
	s11 =	sadd.s32 s31, s11;
	s23 =	sshrl.u32 s7, $0x3  }
0xd: {  	s7 =	sshrl.u32 s24, $0x3;
	s6 =	smax.u32 s29, $0x1;
	s8 =	sadd.s32 $0x8000, s4  }
0xe: {  	s9 =	sadd.s32 $0xC000, s4;
	s10 =	sadd.s32 $0x10000, s4;
	s11 =	sadd.s32 $0x1946600, s11  }
0xf: {  	s18 =	sshrl.u32 s4, $0x3;
	s12 =	sadd.s32 s23, s5;
	s5 =	sadd.s32 s7, s5  }
0x10: {  	v0 =	vimm.f32 $0.0e+00;
	s7 =	sadd.s32 $0x4000, s4;
	s5 =	sadd.s32 $0x19000, s5;
	s12 =	sadd.s32 $0xF200, s12  }
.LBB2_1:
0x11: {  	s20 =	simm.s32 $0x0;
	s21 =	simm.s32 $0x200  }
.LBB2_2:
0x12: {  	p0 =	sne.s32 s21, $0xFE00;
	[tilespmem:s20+$0x28F0] =	vst v0  }
0x13: {  	[tilespmem:s20+$0x2880] =	vst v0  }
0x14: {  	[tilespmem:s20+$0x2890] =	vst v0  }
.Ltmp0:
0x15: {  	[tilespmem:s20+$0x28A0] =	vst v0;
	(pc) =	sbr.rel @p0 .LBB2_2-.Ltmp0, $4  }
0x16: {  	[tilespmem:s20+$0x28B0] =	vst v0  }
0x17: {  	[tilespmem:s20+$0x28C0] =	vst v0  }
0x18: {  	[tilespmem:s20+$0x28D0] =	vst v0  }
0x19: {  	[tilespmem:s20+$0x28E0] =	vst v0;
	s20 =	sshra.s32 s21, $0x2;
	s21 =	sadd.s32 $0x200, s21  }
0x1a: {  	[tilespmem:s20+$0x28F0] =	vst v0  }
0x1b: {  	[tilespmem:s20+$0x2880] =	vst v0  }
0x1c: {  	[tilespmem:s20+$0x2890] =	vst v0  }
0x1d: {  	[tilespmem:s20+$0x28A0] =	vst v0  }
0x1e: {  	[tilespmem:s20+$0x28B0] =	vst v0  }
0x1f: {  	[tilespmem:s20+$0x28C0] =	vst v0  }
0x20: {  	[tilespmem:s20+$0x28D0] =	vst v0  }
0x21: {  	[tilespmem:s20+$0x28E0] =	vst v0  }
0x22: {  	[spmem:s4] =	stream.linear.scatter [tilespmem:s13], [sflag:$0x1], $0x4000, $0x38;
	[tilespmem:$0x1A880] =	vst v63  }
0x23: {  	_ =	swait.ge [sflag:s14], $0x4000  }
0x24: {  	[sflag:s14] =	ssyncset.done $0x0  }
0x25: {  	[sflag:s14] =	ssyncadd.s32 $0xFFFFC000  }
0x26: {  	[spmem:s7] =	stream.linear.scatter [tilespmem:s13], [sflag:$0x1], $0x4000, $0x38;
	[tilespmem:$0x1A880] =	vst v63  }
0x27: {  	_ =	swait.ge [sflag:s14], $0x4000  }
0x28: {  	[sflag:s14] =	ssyncset.done $0x0  }
0x29: {  	[sflag:s14] =	ssyncadd.s32 $0xFFFFC000  }
0x2a: {  	[spmem:s8] =	stream.linear.scatter [tilespmem:s13], [sflag:$0x1], $0x4000, $0x38;
	[tilespmem:$0x1A880] =	vst v63  }
0x2b: {  	_ =	swait.ge [sflag:s14], $0x4000  }
0x2c: {  	[sflag:s14] =	ssyncset.done $0x0  }
0x2d: {  	[sflag:s14] =	ssyncadd.s32 $0xFFFFC000  }
0x2e: {  	[spmem:s9] =	stream.linear.scatter [tilespmem:s13], [sflag:$0x1], $0x4000, $0x38;
	[tilespmem:$0x1A880] =	vst v63  }
0x2f: {  	_ =	swait.ge [sflag:s14], $0x4000  }
0x30: {  	[sflag:s14] =	ssyncset.done $0x0  }
0x31: {  	[sflag:s14] =	ssyncadd.s32 $0xFFFFC000  }
0x32: {  	[spmem:s10] =	stream.linear.scatter [tilespmem:s13], [sflag:$0x1], $0x4000, $0x38;
	[tilespmem:$0x1A880] =	vst v63  }
0x33: {  	_ =	swait.ge [sflag:s14], $0x4000  }
0x34: {  	[sflag:s14] =	ssyncset.done $0x0  }
0x35: {  	[sflag:s14] =	ssyncadd.s32 $0xFFFFC000  }
0x36: {  	[bflag:$0x0] =	sbarrier.arrive $0xFFFF  }
0x37: {  	[tilespmem:s15], [sflag:$0x1] =	stream.linear.gather [hbm4b:s11+s3], $0x2800, $0x38;
	[tilespmem:$0x1A880] =	vst v63  }
0x38: {  	_ =	swait.ge [sflag:s14], $0x2800  }
0x39: {  	[sflag:s14] =	ssyncset.done $0x0  }
0x3a: {  	s31 =	sadd.s32 $0x0, s12;
	[sflag:s14] =	ssyncadd.s32 $0xFFFFD800  }
0x3b: {  	[tilespmem:s3], [sflag:$0x1] =	stream.linear.gather [hbm4b:s31+s3], $0x50, $0x38;
	[tilespmem:$0x1A880] =	vst v63  }
0x3c: {  	_ =	swait.ge [sflag:s14], $0x50  }
0x3d: {  	[sflag:s14] =	ssyncset.done $0x0  }
0x3e: {  	[sflag:s14] =	ssyncadd.s32 $0xFFFFFFB0  }
0x3f: {  	[spmem:s2] =	stream.indirect.scatter.add.f32 [tilespmem:s15], [sflag:$0x1], $0x80, s3, s16, $0xb8;
	[tilespmem:$0x1A880] =	vst v63  }
0x40: {  	_ =	swait.ge [sflag:s14], $0x2800  }
0x41: {  	s20 =	simm.s32 $0xA;
	s21 =	smov.u32 s11;
	[sflag:s14] =	ssyncset.done $0x0  }
.LBB2_4:
0x42: {  	p0 =	sne.s32 s20, $0x4D8;
	[sflag:s14] =	ssyncadd.s32 $0xFFFFD800;
	s21 =	sadd.s32 $0x500, s21  }
0x43: {  	[tilespmem:s15], [sflag:$0x1] =	stream.linear.gather [hbm4b:s21+s3], $0x2800, $0x38;
	[tilespmem:$0x1A880] =	vst v63  }
0x44: {  	s22 =	smov.u32 s20;
	s20 =	sadd.s32 $0xA, s20;
	_ =	swait.ge [sflag:s14], $0x2800  }
0x45: {  	[sflag:s14] =	ssyncset.done $0x0  }
0x46: {  	s22 =	sadd.s32 s22, s12;
	[sflag:s14] =	ssyncadd.s32 $0xFFFFD800  }
0x47: {  	[tilespmem:s3], [sflag:$0x1] =	stream.linear.gather [hbm4b:s22+s3], $0x50, $0x38;
	[tilespmem:$0x1A880] =	vst v63  }
0x48: {  	_ =	swait.ge [sflag:s14], $0x50  }
.Ltmp1:
0x49: {  	[sflag:s14] =	ssyncset.done $0x0;
	(pc) =	sbr.rel @p0 .LBB2_4-.Ltmp1, $4  }
0x4a: {  	[sflag:s14] =	ssyncadd.s32 $0xFFFFFFB0  }
0x4b: {  	[spmem:s2] =	stream.indirect.scatter.add.f32 [tilespmem:s15], [sflag:$0x1], $0x80, s3, s16, $0xb8;
	[tilespmem:$0x1A880] =	vst v63  }
0x4c: {  	_ =	swait.ge [sflag:s14], $0x2800  }
0x4d: {  	[sflag:s14] =	ssyncset.done $0x0  }
0x4e: {  	s19 =	sadd.s32 $0x1, s19  }
0x4f: {  	[sflag:s14] =	ssyncadd.s32 $0xFFFFD800;
	p0 =	sne.s32 s19, s6  }
.Ltmp2:
0x50: {  	[bflag:$0x0] =	sbarrier.arrive $0xFFFF;
	(pc) =	sbr.rel @p0 .LBB2_1-.Ltmp2, $4  }
0x51: {  	[hbm:s5], [sflag:s17] =	dma.local [spmem:s18], $0x2800  }
0x52: {  	_ =	swait.ge [sflag:s14], $0x2800  }
0x53: {  	[sflag:s14] =	ssyncset.done $0x0  }
0x54: {  	[sflag:s14] =	ssyncadd.s32 $0xFFFFD800  }
0x55: {  	_ =	sfence.sel $0x180000  }
0x56: {  	[bflag:$0x0] =	sbarrier.arrive $0xFFFF  }
0x57: {  	p0 =	sne.s32 s0, $0x0;
	_ =	strace $0x9000004A  }
0x58: {  	s0 =	sadd.s32 @!p0 $0x100000, s1;
	[bflag:$0x2] =	sbarrier.arrive $0xFFFF  }
0x59: {  	[sflag:s0] =	ssyncadd.tile.s32 @!p0 $0x1;
	_ =	shalt  }
.Lfunc_end2:
_tile_overlayer_lowered:
.L_overlay_start_2:
0x5a: {  	(tag) =	ssettag $0x2  }
0x5b: {  	s0 =	rddreg [dreg:$0x0];
	s2 =	stileid.u32  }
0x5c: {  	s1 =	rddreg [dreg:$0x1];
	p0 =	sne.s32 s2, $0x0  }
0x5d: {  	s3 =	rddreg [dreg:$0x2];
	[bflag:$0x3] =	sbarrier.arrive $0xFFFF;
	s2 =	simm.s32 @!p0 $0x1C01  }
0x5e: {  	[timem:s3], [sflag:s2] =	dma.local @!p0 [hbm:s0], s1  }
0x5f: {  	s0 =	simm.s32 @!p0 $0x1  }
0x60: {  	_ =	swait.ge @!p0 [sflag:s0], s1  }
0x61: {  	s1 =	ssub.s32 @!p0 $0x0, s1;
	[sflag:s0] =	ssyncset.done @!p0 $0x0  }
0x62: {  	[sflag:s0] =	ssyncadd.s32 @!p0 s1  }
0x63: {  	[bflag:$0x3] =	sbarrier.arrive $0xFFFF  }
0x64: {  	_ =	shalt  }

// kernel: kernel.7.cloned.1.call-start
scs
__scs_entry_jumppad:
0x0: {  	(pc) =	sbr.rel $0x88, $3  }
0x1: {  	(tag) =	ssettag $0x0;
	lr =	simm.s32 $0x1  }
0x2: {  	[smem:$0x3F8A] =	sst lr;
	_ =	strace $0xD0000000  }
0x3: {  	_ = 	snop  }
0x4: {  	_ = 	snop  }
0x5: {  	_ = 	snop  }
0x6: {  	_ = 	snop  }
0x7: {  	_ = 	snop  }
__scs_overlays_trampoline_lowered:
0x8: {  	[smem:$0x3F99] =	sst s0  }
0x9: {  	[smem:$0x3F9A] =	sst s1  }
0xa: {  	[smem:$0x3F9B] =	sst s2  }
0xb: {  	[smem:$0x3F9C] =	sst s3  }
0xc: {  	[smem:$0x3F9D] =	sst s4  }
0xd: {  	[smem:$0x3F9E] =	sst s5  }
0xe: {  	[smem:$0x3F9F] =	sst s6  }
0xf: {  	[smem:$0x3FA0] =	sst s7  }
0x10: {  	[smem:$0x3FA1] =	sst s8  }
0x11: {  	[smem:$0x3FA2] =	sst s9;
	s0 =	simm.s32 @!p0 $0x0  }
0x12: {  	s1 =	sld [smem:$0x3F88];
	s0 =	simm.s32 @p0 $0x1  }
0x13: {  	[smem:$0x3FA3] =	sst s0;
	s0 =	simm.s32 @!p1 $0x0  }
0x14: {  	s2 =	sld [smem:$0x3F87];
	s0 =	simm.s32 @p1 $0x1  }
0x15: {  	[smem:$0x3FA4] =	sst s0;
	s0 =	simm.s32 @!p2 $0x0  }
0x16: {  	s3 =	sld [smem:$0x3FDB];
	s0 =	simm.s32 @p2 $0x1  }
0x17: {  	s4 =	simm.s32 $0x1BF5;
	[smem:$0x3FA6] =	sst s0  }
0x18: {  	s0 =	sld [smem:$0x3F89];
	_ =	swait.ge [sflag:s4], $0x0  }
0x19: {  	s7 =	sld [smem:$0x3F8A]  }
0x1a: {  	s8 =	sadd.s32 $0xFFFFE003, lr  }
0x1b: {  	s9 =	sadd.s32 $0xFFFFFEF7, lr;
	s5 =	simm.s32 $0xFFFFFFFF;
	p2 =	slt.u32 s8, $0xFFFFF086  }
0x1c: {  	p1 =	slt.u32 s9, $0xF7A;
	s5 =	simm.s32 @!p2 $0x0  }
0x1d: {  	s5 =	simm.s32 @p1 $0x1;
	p0 =	seq.s32 s7, s2  }
0x1e: {  	s7 =	smul.u32 @!p0 $0xF7A, s2;
	p2 =	seq.s32 @!p0 s5, $0x0  }
0x1f: {  	s9 =	smul.u32 $0xF7A, s1;
	s8 =	simm.s32 @!p0 $0x1BF5;
	p2 =	por !p2, p0  }
0x20: {  	[sflag:s8] =	ssyncset.s32 @!p0 $0xFFFFF086;
	s6 =	sadd.s32 @!p0 s3, s7;
	s7 =	simm.s32 @!p0 $0x108  }
0x21: {  	s3 =	sadd.s32 s3, s9;
	s6 =	sadd.s32 @!p0 $0x88, s6;
	s7 =	simm.s32 @p2 $0x1082  }
0x22: {  	[simem:s7], [sflag:s8] =	dma.local @!p0 [hbm:s6], $0xF7A  }
0x23: {  	s9 =	sor.u32 $0xD0000000, s2;
	s6 =	simm.s32 $0x108;
	_ =	swait.ge @!p0 [sflag:s8], $0x0  }
0x24: {  	s3 =	sadd.s32 $0x88, s3;
	s6 =	simm.s32 @!p1 $0x1082;
	[sflag:s4] =	ssyncset.s32 $0xFFFFF086  }
0x25: {  	[simem:s6], [sflag:s4] =	dma.local [hbm:s3], $0xF7A  }
0x26: {  	[smem:$0x3F8A] =	sst s1;
	(tag) =	ssettag s2;
	_ =	strace s9  }
0x27: {  	s1 =	sld [smem:$0x3F9A]  }
0x28: {  	s2 =	sld [smem:$0x3F9B]  }
0x29: {  	s4 =	sld [smem:$0x3F9D]  }
0x2a: {  	p0 =	seq.s32 s5, $0x0;
	s5 =	sld [smem:$0x3F9E]  }
0x2b: {  	s6 =	sld [smem:$0x3F9F]  }
0x2c: {  	s7 =	sld [smem:$0x3FA0]  }
0x2d: {  	s3 =	simm.s32 $0x108;
	s8 =	sld [smem:$0x3FA1]  }
0x2e: {  	s3 =	simm.s32 @!p0 $0x1082;
	s9 =	sld [smem:$0x3FA2]  }
0x2f: {  	lr =	sadd.s32 s0, s3;
	s0 =	sld [smem:$0x3F99]  }
0x30: {  	s3 =	sld [smem:$0x3F9C]  }
0x31: {  	[smem:$0x3FA5] =	sst s10  }
0x32: {  	s10 =	sld [smem:$0x3FA3];
	_ =	sdelay $0x3  }
0x33: {  	p0 =	seq.s32 s10, $0x1;
	s10 =	sld [smem:$0x3FA5];
	_ =	sdelay $0x3  }
0x34: {  	[smem:$0x3FA5] =	sst s10  }
0x35: {  	s10 =	sld [smem:$0x3FA4];
	_ =	sdelay $0x3  }
0x36: {  	p1 =	seq.s32 s10, $0x1;
	s10 =	sld [smem:$0x3FA5];
	_ =	sdelay $0x3  }
0x37: {  	[smem:$0x3FA5] =	sst s10  }
0x38: {  	s10 =	sld [smem:$0x3FA6]  }
0x39: {  	_ = 	snop;
	(pc) =	sbr.ind lr, $3  }
0x3a: {  	_ = 	snop  }
0x3b: {  	_ = 	snop  }
0x3c: {  	p2 =	seq.s32 s10, $0x1;
	s10 =	sld [smem:$0x3FA5]  }
0x3d: {  	_ =	shalt  }
0x3e: {  	_ =	shalt  }
0x3f: {  	_ =	shalt  }
0x40: {  	_ =	shalt  }
0x41: {  	_ =	shalt  }
0x42: {  	_ =	shalt  }
0x43: {  	_ =	shalt  }
0x44: {  	_ =	shalt  }
0x45: {  	_ =	shalt  }
0x46: {  	_ =	shalt  }
0x47: {  	_ =	shalt  }
0x48: {  	_ =	shalt  }
0x49: {  	_ =	shalt  }
0x4a: {  	_ =	shalt  }
0x4b: {  	_ =	shalt  }
0x4c: {  	_ =	shalt  }
0x4d: {  	_ =	shalt  }
0x4e: {  	_ =	shalt  }
0x4f: {  	_ =	shalt  }
0x50: {  	_ =	shalt  }
0x51: {  	_ =	shalt  }
0x52: {  	_ =	shalt  }
0x53: {  	_ =	shalt  }
0x54: {  	_ =	shalt  }
0x55: {  	_ =	shalt  }
0x56: {  	_ =	shalt  }
0x57: {  	_ =	shalt  }
0x58: {  	_ =	shalt  }
0x59: {  	_ =	shalt  }
0x5a: {  	_ =	shalt  }
0x5b: {  	_ =	shalt  }
0x5c: {  	_ =	shalt  }
0x5d: {  	_ =	shalt  }
0x5e: {  	_ =	shalt  }
0x5f: {  	_ =	shalt  }
0x60: {  	_ =	shalt  }
0x61: {  	_ =	shalt  }
0x62: {  	_ =	shalt  }
0x63: {  	_ =	shalt  }
0x64: {  	_ =	shalt  }
0x65: {  	_ =	shalt  }
0x66: {  	_ =	shalt  }
0x67: {  	_ =	shalt  }
0x68: {  	_ =	shalt  }
0x69: {  	_ =	shalt  }
0x6a: {  	_ =	shalt  }
0x6b: {  	_ =	shalt  }
0x6c: {  	_ =	shalt  }
0x6d: {  	_ =	shalt  }
0x6e: {  	_ =	shalt  }
0x6f: {  	_ =	shalt  }
0x70: {  	_ =	shalt  }
0x71: {  	_ =	shalt  }
0x72: {  	_ =	shalt  }
0x73: {  	_ =	shalt  }
0x74: {  	_ =	shalt  }
0x75: {  	_ =	shalt  }
0x76: {  	_ =	shalt  }
0x77: {  	_ =	shalt  }
0x78: {  	_ =	shalt  }
0x79: {  	_ =	shalt  }
0x7a: {  	_ =	shalt  }
0x7b: {  	_ =	shalt  }
0x7c: {  	_ =	shalt  }
0x7d: {  	_ =	shalt  }
0x7e: {  	_ =	shalt  }
0x7f: {  	_ =	shalt  }
0x80: {  	_ =	shalt  }
0x81: {  	_ =	shalt  }
0x82: {  	_ =	shalt  }
0x83: {  	_ =	shalt  }
0x84: {  	_ =	shalt  }
0x85: {  	_ =	shalt  }
0x86: {  	_ =	shalt  }
0x87: {  	_ =	shalt  }
.Lfunc_end0:
.L_simem_size_0:
called_computation_lowered:
.L_overlay_start_0:
0x88: {  	s2 =	sld [smem:$0x3FD9]  }
0x89: {  	s3 =	sld [smem:$0x3FFE];
	_ =	sdelay $0x1  }
0x8a: {  	s1 =	srdreg.scid  }
0x8b: {  	s0 =	sand.u32 $0x1, s1  }
0x8c: {  	s16 =	sshll.u32 s0, $0xA;
	s2 =	sadd.s32 s3, s2  }
0x8d: {  	s2 =	sadd.s32 s2, s16  }
0x8e: {  	[smem:$0x3FB1] =	sst s2  }
0x8f: {  	_ = 	snop  }
0x90: {  	(tm) =	ssettm $0x1  }
0x91: {  	s17 =	sld [smem:$0x3FFB];
	_ =	sdelay $0x3  }
0x92: {  	_ =	strace s17  }
0x93: {  	s2 =	sld [smem:$0x3FFC];
	_ =	sdelay $0x3  }
0x94: {  	_ =	strace s2  }
0x95: {  	s2 =	sld [smem:$0x3FFD];
	_ =	sdelay $0x3  }
0x96: {  	_ =	strace s2  }
0x97: {  	_ =	strace $0x8FFFFFFF  }
0x98: {  	s18 =	sld [smem:$0x3FDB];
	_ =	sdelay $0x1  }
0x99: {  	s19 =	simm.s32 $_scs_section_size  }
0x9a: {  	s4 =	simm.s32 $_size__tile_overlayer_lowered;
	s5 =	simm.s32 $_tile_overlayer_lowered  }
0x9b: {  	s22 =	simm.s32 $0x1BFF;
	s21 =	sshll.u32 s5, $0x1;
	s2 =	sadd.s32 s19, s18  }
0x9c: {  	s6 =	simm.s32 $0x0;
	s20 =	sshll.u32 s4, $0x1;
	s4 =	sadd.s32 s21, s2  }
0x9d: {  	[timem:s6], [sflag:s22] =	dma.local [hbm:s4], s20  }
0x9e: {  	_ =	swait.ge [sflag:s22], s20  }
0x9f: {  	s3 =	ssub.s32 $0x0, s20;
	[sflag:s22] =	ssyncset.done $0x0  }
0xa0: {  	[sflag:s22] =	ssyncadd.s32 s3;
	_ =	sdelay $0x1  }
0xa1: {  	s23 =	simm.s32 $0x1B8B  }
0xa2: {  	_ =	swait.ge [sflag:s23], $0x1  }
0xa3: {  	[sflag:s23] =	ssyncset.done $0x0  }
0xa4: {  	s25 =	simm.s32 $0x1B8E;
	s24 =	sld [smem:$0x3FFE];
	[sflag:s23] =	ssyncadd.s32 $0xFFFFFFFF  }
0xa5: {  	s26 =	simm.s32 $execute0_lowered;
	[smem:$0x3FD2] =	sst s25  }
0xa6: {  	s4 =	sshll.u32 s26, $0x1;
	_ =	strace $0x80000046;
	[dreg:$0x1] =	wrdreg $0xFFFFFFFF  }
0xa7: {  	s28 =	simm.s32 $_size_execute0_lowered;
	s2 =	sadd.s32 s2, s4;
	[dreg:$0x0] =	wrdreg $0x0  }
0xa8: {  	s4 =	sshll.u32 s28, $0x1;
	[dreg:$0x2] =	wrdreg s2  }
0xa9: {  	[dreg:$0x3] =	wrdreg s4  }
0xaa: {  	[dreg:$0x4] =	wrdreg $0xC0  }
0xab: {  	_ =	task [dreg:s6], $0x5FFFF  }
0xac: {  	[dreg:$0x1] =	wrdreg $0xFFFFFFFF  }
0xad: {  	[dreg:$0x0] =	wrdreg $0x60  }
0xae: {  	[dreg:$0x2] =	wrdreg s24  }
0xaf: {  	[dreg:$0x3] =	wrdreg $0x9  }
0xb0: {  	_ =	task.clear_ibuf [dreg:s6], $0x4FFFF;
	_ =	strace $0x90000046  }
0xb1: {  	s29 =	simm.s32 $0x9;
	_ =	strace $0x80000048  }
0xb2: {  	_ =	swait.ge [sflag:s29], $0x1  }
0xb3: {  	[sflag:s29] =	ssyncadd.s32 $0xFFFFFFFF  }
0xb4: {  	_ =	strace $0x90000048  }
0xb5: {  	_ =	sfence  }
0xb6: {  	s30 =	sld [smem:$0x0];
	_ =	sdelay $0x2  }
0xb7: {  	s31 =	sshll.u32 s1, $0xD;
	s1 =	sshrl.u32 s1, $0x2  }
0xb8: {  	s3 =	sand.u32 $0x4000, s31;
	s1 =	sadd.s32 s1, s30  }
0xb9: {  	s0 =	sor.u32 s3, s0;
	s1 =	sshll.u32 s1, $0x11  }
0xba: {  	s0 =	sor.u32 s1, s0  }
0xbb: {  	s0 =	sadd.s32 $0x8F2B, s0  }
0xbc: {  	[sflag:s0] =	ssyncadd.remote.s32 $0x1  }
0xbd: {  	_ =	sfence.sel $0xFFFF  }
0xbe: {  	[dreg:$0x0] =	wrdreg $0xFFFFFFFF;
	(pc) =	sbr.abs _section_cstart, $3  }
0xbf: {  	[dreg:$0x1] =	wrdreg $0xFFFFFFFF  }
0xc0: {  	_ =	task.clear_ibuf [dreg:s6], $0x2FFFF;
	_ =	strace $0x9FFFFFFF  }
0xc1: {  	(tm) =	ssettm $0x7FFFFFFF  }
tec
execute0_lowered:
.L_overlay_start_1:
0x0: {  	(tag) =	ssettag $0x1  }
0x1: {  	s5 =	rddreg [dreg:$0x0];
	s2 =	simm.s32 $0x0  }
0x2: {  	s10 =	simm.s32 $0x80;
	[smem:$0x7FF] =	sst s2  }
0x3: {  	s12 =	simm.s32 $0x900;
	_ =	strace $0x80000047;
	[dreg:$0x4] =	wrdreg s10  }
0x4: {  	s14 =	simm.s32 $0x1100;
	[dreg:$0x5] =	wrdreg s12  }
0x5: {  	s16 =	simm.s32 $0x1900;
	[dreg:$0x6] =	wrdreg s14  }
0x6: {  	s17 =	simm.s32 $0x2100;
	[dreg:$0x7] =	wrdreg s16  }
0x7: {  	s1 =	srdreg.scid;
	s18 =	simm.s32 $0x2900;
	[dreg:$0x8] =	wrdreg s17  }
0x8: {  	s0 =	stileid.u32;
	s19 =	simm.s32 $0x3100;
	[dreg:$0x9] =	wrdreg s18  }
0x9: {  	s20 =	simm.s32 $0x3900;
	s22 =	simm.s32 $0x4100;
	[dreg:$0xa] =	wrdreg s19  }
0xa: {  	s23 =	simm.s32 $0x4900;
	s24 =	simm.s32 $0x5900;
	[dreg:$0xb] =	wrdreg s20  }
0xb: {  	s25 =	simm.s32 $0x5D00;
	s26 =	simm.s32 $0x6500;
	[dreg:$0xc] =	wrdreg s22  }
0xc: {  	s30 =	simm.s32 $0x6900;
	s31 =	simm.s32 $0x7100;
	[dreg:$0xd] =	wrdreg s23  }
0xd: {  	s28 =	simm.s32 $0x2;
	s3 =	smul.u32 $0x4E20, s0;
	[dreg:$0xe] =	wrdreg s24  }
0xe: {  	s1 =	sand.u32 $0x1, s1;
	s9 =	smul.u32 $0x9C400, s0;
	[dreg:$0xf] =	wrdreg s25  }
0xf: {  	s29 =	simm.s32 $0x0;
	s4 =	smul.u32 $0x2710, s1;
	[dreg:$0x10] =	wrdreg s26  }
0x10: {  	s15 =	ssub.s32 $0x2, s1;
	s1 =	smul.u32 $0x4E200, s1;
	[dreg:$0x11] =	wrdreg s30  }
0x11: {  	[dreg:$0x12] =	wrdreg s31;
	s12 =	simm.s32 $0x7500;
	s14 =	simm.s32 $0x8100  }
0x12: {  	s16 =	simm.s32 $0x8D00;
	s17 =	simm.s32 $0x9500;
	s18 =	simm.s32 $0x9900  }
0x13: {  	s19 =	simm.s32 $0xA100;
	s20 =	simm.s32 $0xA500;
	s22 =	simm.s32 $0xB100  }
0x14: {  	s23 =	simm.s32 $0xB900;
	s24 =	simm.s32 $0xBD00;
	s25 =	simm.s32 $0xC500  }
0x15: {  	s26 =	simm.s32 $0x1;
	s11 =	sadd.s32 s9, s5;
	s3 =	sadd.s32 s4, s3  }
0x16: {  	s10 =	sshrl.u32 s15, $0x1;
	s9 =	simm.s32 $0x3;
	s6 =	sshrl.u32 s3, $0x3  }
0x17: {  	s4 =	sadd.s32 $0x19000, s5;
	s1 =	sadd.s32 s1, s11;
	s7 =	sadd.s32 s6, s5  }
0x18: {  	s11 =	simm.s32 $0x5100;
	s6 =	smul.u32 $0x180, s6;
	s8 =	sadd.s32 $0xF200, s7  }
0x19: {  	s3 =	sadd.s32 $0x8E400, s5;
	s7 =	sadd.s32 $0x5400, s7;
	[dreg:$0x2] =	wrdreg s8  }
0x1a: {  	[dreg:$0x3] =	wrdreg s7;
	s13 =	sadd.s32 s6, s5;
	s7 =	ssub.s32 s15, s10  }
0x1b: {  	v2 =	vlaneseq.u32;
	s5 =	sadd.s32 $0x19100, s5;
	s10 =	simm.s32 $0x100;
	s15 =	simm.s32 $0x8900  }
0x1c: {  	vm0 =	vmmov $0xffff;
	vm1 =	vmmov $0xff;
	v1 =	vshrl.u32 v2, $0x3;
	s21 =	smax.u32 s7, $0x1;
	s7 =	sadd.s32 $0xDC600, s1;
	s8 =	sadd.s32 $0xAA0600, s13  }
0x1d: {  	v0 =	vand.u32 $0x7, v2;
	v2 =	vor.u32 $0x8, v2;
	v1 =	vmul.u32 $0x8, v1;
	s13 =	simm.s32 $0x7D00;
	[dreg:$0x13] =	wrdreg s21;
	s21 =	simm.s32 $0xAD00  }
.LBB2_1:
0x1e: {  	s30 =	smov.u32 s8;
	s31 =	smov.u32 s7;
	s1 =	simm.s32 $0x0  }
.LBB2_2:
0x1f: {  	s0 =	rddreg [dreg:$0x3]  }
0x20: {  	s0 =	sadd.s32 s1, s0  }
0x21: {  	[tilespmem:s2], [sflag:$0x3] =	stream.linear.gather [hbm4b:s0+s2], $0x50, $0x38;
	[tilespmem:$0xC900] =	vst v63  }
0x22: {  	_ =	swait.ge [sflag:s9], $0x50  }
0x23: {  	s0 =	rddreg [dreg:$0x2];
	[sflag:s9] =	ssyncset.done $0x0  }
0x24: {  	s6 =	rddreg [dreg:$0x4];
	[sflag:s9] =	ssyncadd.s32 $0xFFFFFFB0;
	s0 =	sadd.s32 s1, s0  }
0x25: {  	[tilespmem:s6], [sflag:$0x3] =	stream.linear.gather [hbm4b:s0+s2], $0x50, $0x38;
	[tilespmem:$0xC900] =	vst v63  }
0x26: {  	_ =	swait.ge [sflag:s9], $0x50  }
0x27: {  	[sflag:s9] =	ssyncset.done $0x0  }
0x28: {  	[sflag:s9] =	ssyncadd.s32 $0xFFFFFFB0  }
0x29: {  	v3 =	vld [tilespmem:$0x0];
	_ =	sdelay $0x4  }
0x2a: {  	v4 =	vshll.u32 v3, $0x1  }
0x2b: {  	v3 =	vand.u32 $0x7, v3;
	v4 =	vand.u32 $0xFFFFFFF0, v4  }
0x2c: {  	v3 =	vor.u32 v3, v4  }
0x2d: {  	v4 =	vperm.xlane v3, v0;
	_ =	sdelay $0x1  }
0x2e: {  	v3 =	vperm.xlane v3, v2;
	v4 =	vadd.s32 v1, v4;
	_ =	sdelay $0x1  }
0x2f: {  	v3 =	vadd.s32 v1, v3;
	_ =	sdelay $0x2  }
0x30: {  	[tilespmem:s10], [sflag:$0x1] =	stream.indirect_vreg.gather [hbm4b:s3+s2], $0x80, v4, vm0, $0xb8;
	[tilespmem:$0xC900] =	vst v63  }
0x31: {  	s6 =	rddreg [dreg:$0x5]  }
0x32: {  	[tilespmem:s6], [sflag:$0x1] =	stream.indirect_vreg.gather [hbm4b:s3+s2], $0x80, v3, vm0, $0xb8;
	[tilespmem:$0xC900] =	vst v63  }
0x33: {  	v3 =	vld [tilespmem:$0x10];
	_ =	sdelay $0x4  }
0x34: {  	v55 =	vshll.u32 v3, $0x1  }
0x35: {  	v3 =	vand.u32 $0x7, v3;
	v4 =	vand.u32 $0xFFFFFFF0, v55  }
0x36: {  	v3 =	vor.u32 v3, v4  }
0x37: {  	v4 =	vperm.xlane v3, v0;
	_ =	sdelay $0x1  }
0x38: {  	v3 =	vperm.xlane v3, v2;
	v4 =	vadd.s32 v1, v4;
	_ =	sdelay $0x1  }
0x39: {  	v3 =	vadd.s32 v1, v3;
	_ =	sdelay $0x1  }
0x3a: {  	s0 =	rddreg [dreg:$0x6]  }
0x3b: {  	[tilespmem:s0], [sflag:$0x1] =	stream.indirect_vreg.gather [hbm4b:s3+s2], $0x80, v4, vm0, $0xb8;
	[tilespmem:$0xC900] =	vst v63  }
0x3c: {  	s6 =	rddreg [dreg:$0x7]  }
0x3d: {  	[tilespmem:s6], [sflag:$0x1] =	stream.indirect_vreg.gather [hbm4b:s3+s2], $0x80, v3, vm0, $0xb8;
	[tilespmem:$0xC900] =	vst v63  }
0x3e: {  	v3 =	vld [tilespmem:$0x20];
	_ =	sdelay $0x4  }
0x3f: {  	v56 =	vshll.u32 v3, $0x1  }
0x40: {  	v3 =	vand.u32 $0x7, v3;
	v4 =	vand.u32 $0xFFFFFFF0, v56  }
0x41: {  	v3 =	vor.u32 v3, v4  }
0x42: {  	v4 =	vperm.xlane v3, v0;
	_ =	sdelay $0x1  }
0x43: {  	v3 =	vperm.xlane v3, v2;
	v4 =	vadd.s32 v1, v4;
	_ =	sdelay $0x1  }
0x44: {  	v3 =	vadd.s32 v1, v3;
	_ =	sdelay $0x1  }
0x45: {  	s0 =	rddreg [dreg:$0x8]  }
0x46: {  	[tilespmem:s0], [sflag:$0x1] =	stream.indirect_vreg.gather [hbm4b:s3+s2], $0x80, v4, vm0, $0xb8;
	[tilespmem:$0xC900] =	vst v63  }
0x47: {  	s6 =	rddreg [dreg:$0x9]  }
0x48: {  	[tilespmem:s6], [sflag:$0x1] =	stream.indirect_vreg.gather [hbm4b:s3+s2], $0x80, v3, vm0, $0xb8;
	[tilespmem:$0xC900] =	vst v63  }
0x49: {  	v3 =	vld [tilespmem:$0x30];
	_ =	sdelay $0x4  }
0x4a: {  	v57 =	vshll.u32 v3, $0x1  }
0x4b: {  	v3 =	vand.u32 $0x7, v3;
	v4 =	vand.u32 $0xFFFFFFF0, v57  }
0x4c: {  	v3 =	vor.u32 v3, v4  }
0x4d: {  	v4 =	vperm.xlane v3, v0;
	_ =	sdelay $0x1  }
0x4e: {  	v3 =	vperm.xlane v3, v2;
	v4 =	vadd.s32 v1, v4;
	_ =	sdelay $0x1  }
0x4f: {  	v3 =	vadd.s32 v1, v3;
	_ =	sdelay $0x1  }
0x50: {  	s0 =	rddreg [dreg:$0xa]  }
0x51: {  	[tilespmem:s0], [sflag:$0x1] =	stream.indirect_vreg.gather [hbm4b:s3+s2], $0x80, v4, vm0, $0xb8;
	[tilespmem:$0xC900] =	vst v63  }
0x52: {  	s6 =	rddreg [dreg:$0xb]  }
0x53: {  	[tilespmem:s6], [sflag:$0x1] =	stream.indirect_vreg.gather [hbm4b:s3+s2], $0x80, v3, vm0, $0xb8;
	[tilespmem:$0xC900] =	vst v63  }
0x54: {  	v3 =	vld [tilespmem:$0x40];
	_ =	sdelay $0x4  }
0x55: {  	v58 =	vshll.u32 v3, $0x1  }
0x56: {  	v3 =	vand.u32 $0x7, v3;
	v4 =	vand.u32 $0xFFFFFFF0, v58  }
0x57: {  	v3 =	vor.u32 v3, v4  }
0x58: {  	v4 =	vperm.xlane v3, v0;
	_ =	sdelay $0x1  }
0x59: {  	v3 =	vperm.xlane v3, v2;
	v4 =	vadd.s32 v1, v4;
	_ =	sdelay $0x1  }
0x5a: {  	v3 =	vadd.s32 v1, v3;
	_ =	sdelay $0x1  }
0x5b: {  	s0 =	rddreg [dreg:$0xc]  }
0x5c: {  	[tilespmem:s0], [sflag:$0x1] =	stream.indirect_vreg.gather [hbm4b:s3+s2], $0x80, v4, vm0, $0xb8;
	[tilespmem:$0xC900] =	vst v63  }
0x5d: {  	s6 =	rddreg [dreg:$0xd]  }
0x5e: {  	[tilespmem:s6], [sflag:$0x1] =	stream.indirect_vreg.gather [hbm4b:s3+s2], $0x80, v3, vm0, $0xb8;
	[tilespmem:$0xC900] =	vst v63  }
0x5f: {  	v3 =	vld [tilespmem:$0x80];
	_ =	sdelay $0x4  }
0x60: {  	v59 =	vshrl.u32 v3, $0x3  }
0x61: {  	v4 =	vmul.u32 $0x18, v59  }
0x62: {  	v3 =	vand.u32 $0x7, v3  }
0x63: {  	v3 =	vor.u32 v3, v4  }
0x64: {  	v4 =	vperm.xlane v3, v0;
	_ =	sdelay $0x1  }
0x65: {  	v4 =	vadd.s32 v1, v4;
	_ =	sdelay $0x1  }
0x66: {  	v3 =	vperm.xlane v3, v2;
	_ =	sdelay $0x1  }
0x67: {  	v3 =	vadd.s32 v1, v3  }
0x68: {  	[tilespmem:s11], [sflag:$0x2] =	stream.indirect_vreg.gather [hbm4b:s4+s2], $0x80, v4, vm0, $0xb8;
	[tilespmem:$0xC900] =	vst v63  }
0x69: {  	s0 =	rddreg [dreg:$0xe]  }
0x6a: {  	[tilespmem:s0], [sflag:$0x2] =	stream.indirect_vreg.gather [hbm4b:s5+s2], $0x80, v4, vm1, $0xb8;
	[tilespmem:$0xC900] =	vst v63  }
0x6b: {  	s6 =	rddreg [dreg:$0xf]  }
0x6c: {  	[tilespmem:s6], [sflag:$0x2] =	stream.indirect_vreg.gather [hbm4b:s4+s2], $0x80, v3, vm0, $0xb8;
	[tilespmem:$0xC900] =	vst v63  }
0x6d: {  	s0 =	rddreg [dreg:$0x10]  }
0x6e: {  	[tilespmem:s0], [sflag:$0x2] =	stream.indirect_vreg.gather [hbm4b:s5+s2], $0x80, v3, vm1, $0xb8;
	[tilespmem:$0xC900] =	vst v63  }
0x6f: {  	v3 =	vld [tilespmem:$0x90];
	_ =	sdelay $0x4  }
0x70: {  	v60 =	vshrl.u32 v3, $0x3  }
0x71: {  	v4 =	vmul.u32 $0x18, v60  }
0x72: {  	v3 =	vand.u32 $0x7, v3  }
0x73: {  	v3 =	vor.u32 v3, v4  }
0x74: {  	v4 =	vperm.xlane v3, v0;
	_ =	sdelay $0x1  }
0x75: {  	v4 =	vadd.s32 v1, v4;
	_ =	sdelay $0x1  }
0x76: {  	v3 =	vperm.xlane v3, v2;
	_ =	sdelay $0x1  }
0x77: {  	s0 =	rddreg [dreg:$0x11];
	v3 =	vadd.s32 v1, v3  }
0x78: {  	[tilespmem:s0], [sflag:$0x2] =	stream.indirect_vreg.gather [hbm4b:s4+s2], $0x80, v4, vm0, $0xb8;
	[tilespmem:$0xC900] =	vst v63  }
0x79: {  	s6 =	rddreg [dreg:$0x12]  }
0x7a: {  	[tilespmem:s6], [sflag:$0x2] =	stream.indirect_vreg.gather [hbm4b:s5+s2], $0x80, v4, vm1, $0xb8;
	[tilespmem:$0xC900] =	vst v63  }
0x7b: {  	_ = 	snop  }
0x7c: {  	[tilespmem:s12], [sflag:$0x2] =	stream.indirect_vreg.gather [hbm4b:s4+s2], $0x80, v3, vm0, $0xb8;
	[tilespmem:$0xC900] =	vst v63  }
0x7d: {  	_ = 	snop  }
0x7e: {  	[tilespmem:s13], [sflag:$0x2] =	stream.indirect_vreg.gather [hbm4b:s5+s2], $0x80, v3, vm1, $0xb8;
	[tilespmem:$0xC900] =	vst v63  }
0x7f: {  	v3 =	vld [tilespmem:$0xA0];
	_ =	sdelay $0x4  }
0x80: {  	v61 =	vshrl.u32 v3, $0x3  }
0x81: {  	v4 =	vmul.u32 $0x18, v61  }
0x82: {  	v3 =	vand.u32 $0x7, v3  }
0x83: {  	v3 =	vor.u32 v3, v4  }
0x84: {  	v4 =	vperm.xlane v3, v0;
	_ =	sdelay $0x1  }
0x85: {  	v4 =	vadd.s32 v1, v4;
	_ =	sdelay $0x1  }
0x86: {  	v3 =	vperm.xlane v3, v2;
	_ =	sdelay $0x1  }
0x87: {  	v3 =	vadd.s32 v1, v3  }
0x88: {  	[tilespmem:s14], [sflag:$0x2] =	stream.indirect_vreg.gather [hbm4b:s4+s2], $0x80, v4, vm0, $0xb8;
	[tilespmem:$0xC900] =	vst v63  }
0x89: {  	_ = 	snop  }
0x8a: {  	[tilespmem:s15], [sflag:$0x2] =	stream.indirect_vreg.gather [hbm4b:s5+s2], $0x80, v4, vm1, $0xb8;
	[tilespmem:$0xC900] =	vst v63  }
0x8b: {  	_ = 	snop  }
0x8c: {  	[tilespmem:s16], [sflag:$0x2] =	stream.indirect_vreg.gather [hbm4b:s4+s2], $0x80, v3, vm0, $0xb8;
	[tilespmem:$0xC900] =	vst v63  }
0x8d: {  	_ = 	snop  }
0x8e: {  	[tilespmem:s17], [sflag:$0x2] =	stream.indirect_vreg.gather [hbm4b:s5+s2], $0x80, v3, vm1, $0xb8;
	[tilespmem:$0xC900] =	vst v63  }
0x8f: {  	v3 =	vld [tilespmem:$0xB0];
	_ =	sdelay $0x4  }
0x90: {  	v62 =	vshrl.u32 v3, $0x3  }
0x91: {  	v4 =	vmul.u32 $0x18, v62  }
0x92: {  	v3 =	vand.u32 $0x7, v3  }
0x93: {  	v3 =	vor.u32 v3, v4  }
0x94: {  	v4 =	vperm.xlane v3, v0;
	_ =	sdelay $0x1  }
0x95: {  	v4 =	vadd.s32 v1, v4;
	_ =	sdelay $0x1  }
0x96: {  	v3 =	vperm.xlane v3, v2;
	_ =	sdelay $0x1  }
0x97: {  	v3 =	vadd.s32 v1, v3  }
0x98: {  	[tilespmem:s18], [sflag:$0x2] =	stream.indirect_vreg.gather [hbm4b:s4+s2], $0x80, v4, vm0, $0xb8;
	[tilespmem:$0xC900] =	vst v63  }
0x99: {  	_ = 	snop  }
0x9a: {  	[tilespmem:s19], [sflag:$0x2] =	stream.indirect_vreg.gather [hbm4b:s5+s2], $0x80, v4, vm1, $0xb8;
	[tilespmem:$0xC900] =	vst v63  }
0x9b: {  	_ = 	snop  }
0x9c: {  	[tilespmem:s20], [sflag:$0x2] =	stream.indirect_vreg.gather [hbm4b:s4+s2], $0x80, v3, vm0, $0xb8;
	[tilespmem:$0xC900] =	vst v63  }
0x9d: {  	_ = 	snop  }
0x9e: {  	[tilespmem:s21], [sflag:$0x2] =	stream.indirect_vreg.gather [hbm4b:s5+s2], $0x80, v3, vm1, $0xb8;
	[tilespmem:$0xC900] =	vst v63  }
0x9f: {  	v3 =	vld [tilespmem:$0xC0];
	_ =	sdelay $0x4  }
0xa0: {  	v63 =	vshrl.u32 v3, $0x3  }
0xa1: {  	v4 =	vmul.u32 $0x18, v63  }
0xa2: {  	v3 =	vand.u32 $0x7, v3  }
0xa3: {  	v3 =	vor.u32 v3, v4  }
0xa4: {  	v4 =	vperm.xlane v3, v0;
	_ =	sdelay $0x1  }
0xa5: {  	v4 =	vadd.s32 v1, v4;
	_ =	sdelay $0x1  }
0xa6: {  	v3 =	vperm.xlane v3, v2;
	_ =	sdelay $0x1  }
0xa7: {  	v3 =	vadd.s32 v1, v3  }
0xa8: {  	[tilespmem:s22], [sflag:$0x2] =	stream.indirect_vreg.gather [hbm4b:s4+s2], $0x80, v4, vm0, $0xb8;
	[tilespmem:$0xC900] =	vst v63  }
0xa9: {  	_ = 	snop  }
0xaa: {  	[tilespmem:s23], [sflag:$0x2] =	stream.indirect_vreg.gather [hbm4b:s5+s2], $0x80, v4, vm1, $0xb8;
	[tilespmem:$0xC900] =	vst v63  }
0xab: {  	_ = 	snop  }
0xac: {  	[tilespmem:s24], [sflag:$0x2] =	stream.indirect_vreg.gather [hbm4b:s4+s2], $0x80, v3, vm0, $0xb8;
	[tilespmem:$0xC900] =	vst v63  }
0xad: {  	_ = 	snop  }
0xae: {  	[tilespmem:s25], [sflag:$0x2] =	stream.indirect_vreg.gather [hbm4b:s5+s2], $0x80, v3, vm1, $0xb8;
	[tilespmem:$0xC900] =	vst v63  }
0xaf: {  	_ =	swait.ge [sflag:s26], $0x5000  }
0xb0: {  	[sflag:s26] =	ssyncset.done $0x0  }
0xb1: {  	[sflag:s26] =	ssyncadd.s32 $0xFFFFB000  }
0xb2: {  	_ =	swait.ge [sflag:s28], $0x7800  }
0xb3: {  	[sflag:s28] =	ssyncset.done $0x0  }
0xb4: {  	[sflag:s28] =	ssyncadd.s32 $0xFFFF8800  }
0xb5: {  	[hbm4b:s31+s2] =	stream.linear.scatter [tilespmem:s10], [sflag:$0x3], $0x5000, $0x38;
	[tilespmem:$0xC900] =	vst v63  }
0xb6: {  	_ =	swait.ge [sflag:s9], $0x5000  }
0xb7: {  	p0 =	sne.s32 s1, $0x4D8;
	[sflag:s9] =	ssyncset.done $0x0  }
.Ltmp0:
0xb8: {  	[sflag:s9] =	ssyncadd.s32 $0xFFFFB000;
	(pc) =	sbr.rel @p0 .LBB2_2-.Ltmp0, $4  }
0xb9: {  	[hbm4b:s30+s2] =	stream.linear.scatter [tilespmem:s11], [sflag:$0x3], $0x7800, $0x38;
	[tilespmem:$0xC900] =	vst v63  }
0xba: {  	_ =	swait.ge [sflag:s9], $0x7800  }
0xbb: {  	s1 =	sadd.s32 $0xA, s1;
	[sflag:s9] =	ssyncset.done $0x0  }
0xbc: {  	s31 =	sadd.s32 $0xA00, s31;
	s30 =	sadd.s32 $0xF00, s30;
	[sflag:s9] =	ssyncadd.s32 $0xFFFF8800  }
0xbd: {  	s29 =	sadd.s32 $0x1, s29;
	s0 =	rddreg [dreg:$0x13]  }
0xbe: {  	p0 =	sne.s32 s29, s0  }
.Ltmp1:
0xbf: {  	_ = 	snop;
	(pc) =	sbr.rel @p0 .LBB2_1-.Ltmp1, $1  }
0xc0: {  	_ =	sdelay $0x3  }
0xc1: {  	_ =	sfence.sel $0x180000  }
0xc2: {  	[bflag:$0x0] =	sbarrier.arrive $0xFFFF  }
0xc3: {  	_ =	strace $0x90000047  }
0xc4: {  	s0 =	stileid.u32;
	[bflag:$0x2] =	sbarrier.arrive $0xFFFF  }
0xc5: {  	p0 =	sne.s32 s0, $0x0;
	s0 =	rddreg [dreg:$0x1]  }
0xc6: {  	s0 =	sadd.s32 @!p0 $0x100000, s0  }
0xc7: {  	[sflag:s0] =	ssyncadd.tile.s32 @!p0 $0x1;
	_ =	shalt  }
.Lfunc_end2:
_tile_overlayer_lowered:
.L_overlay_start_2:
0xc8: {  	(tag) =	ssettag $0x2  }
0xc9: {  	s0 =	rddreg [dreg:$0x0];
	s2 =	stileid.u32  }
0xca: {  	s1 =	rddreg [dreg:$0x1];
	p0 =	sne.s32 s2, $0x0  }
0xcb: {  	s3 =	rddreg [dreg:$0x2];
	[bflag:$0x3] =	sbarrier.arrive $0xFFFF;
	s2 =	simm.s32 @!p0 $0x1C03  }
0xcc: {  	[timem:s3], [sflag:s2] =	dma.local @!p0 [hbm:s0], s1  }
0xcd: {  	s0 =	simm.s32 @!p0 $0x3  }
0xce: {  	_ =	swait.ge @!p0 [sflag:s0], s1  }
0xcf: {  	s1 =	ssub.s32 @!p0 $0x0, s1;
	[sflag:s0] =	ssyncset.done @!p0 $0x0  }
0xd0: {  	[sflag:s0] =	ssyncadd.s32 @!p0 s1  }
0xd1: {  	[bflag:$0x3] =	sbarrier.arrive $0xFFFF  }
0xd2: {  	_ =	shalt  }

</sc_bundles>
